<compile_context>
chip_gen: v7x
topology: tpu7x:2x2x1
jax: 0.10.2.dev20260603
libtpu: 0.0.44.dev20260713+nightly
codegen_flags: <defaults>
</compile_context>

<pallas_src>
import dataclasses

import jax
import jax.numpy as jnp
from jax import lax
from jax.experimental import pallas as pl
from jax.experimental.pallas import tpu as pltpu
from jax.experimental.pallas import tpu_sc as plsc

N = 10000
D = 128
C = 16
NC = 2
NS = 16
NW = NC * NS
CHUNK = 128
N_PAD = 10240
E_PAD = 327680
EPW = E_PAD // NW
NCHUNK = EPW // CHUNK
ROWS_PS = N_PAD // NS

_mesh = plsc.VectorSubcoreMesh(core_axis_name="c", subcore_axis_name="s")


_PHASES = 2
_CPP = NCHUNK // _PHASES

_AGG_OUT_TYPE = jax.ShapeDtypeStruct((NC, N_PAD, D), jnp.float32)
_AGG_SCRATCH = [
    pltpu.VMEM((_CPP, CHUNK), jnp.int32),
    pltpu.VMEM((_CPP, CHUNK), jnp.int32),
    pltpu.VMEM((CHUNK, D), jnp.float32),
    pltpu.VMEM((CHUNK, D), jnp.float32),
    pltpu.VMEM_SHARED((N_PAD, D), jnp.float32),
    pltpu.SemaphoreType.DMA,
    pltpu.SemaphoreType.DMA,
]


def _sc_aggregate_body(table_hbm, src_hbm, dst_hbm, zeros_hbm,
                       out_hbm,
                       sidx_v, didx_v, rows0_v, rows1_v, acc_sh, sem0, sem1):
    cid = lax.axis_index("c")
    sid = lax.axis_index("s")
    wid = cid * NS + sid
    r0 = sid * ROWS_PS
    rows = (rows0_v, rows1_v)
    sems = (sem0, sem1)

    pltpu.sync_copy(zeros_hbm, acc_sh.at[pl.ds(r0, ROWS_PS)])
    plsc.subcore_barrier()

    def _gather_start(c, b):
        pltpu.async_copy(table_hbm.at[sidx_v.at[c]], rows[b], sems[b])

    def _gather_wait(c, b):
        pltpu.make_async_copy(table_hbm.at[sidx_v.at[c]], rows[b],
                              sems[b]).wait()

    for p in range(_PHASES):
        pltpu.sync_copy(src_hbm.at[wid, pl.ds(p * _CPP, _CPP)], sidx_v)
        pltpu.sync_copy(dst_hbm.at[wid, pl.ds(p * _CPP, _CPP)], didx_v)
        _gather_start(0, 0)

        @pl.loop(0, _CPP, step=2)
        def _(i):
            for b in range(2):
                cur = i + b

                @pl.when(cur + 1 < _CPP)
                def _():
                    _gather_start(cur + 1, 1 - b)

                _gather_wait(cur, b)
                pltpu.sync_copy(rows[b], acc_sh.at[didx_v.at[cur]], add=True)

    plsc.subcore_barrier()
    pltpu.sync_copy(acc_sh.at[pl.ds(r0, ROWS_PS)],
                    out_hbm.at[cid, pl.ds(r0, ROWS_PS)])


_sc_aggregate = pl.kernel(
    _sc_aggregate_body, out_type=_AGG_OUT_TYPE, mesh=_mesh,
    scratch_types=_AGG_SCRATCH)


_cp = pltpu.CompilerParams()
if "needs_layout_passes" in pltpu.CompilerParams.__dataclass_fields__:
    _cp = dataclasses.replace(_cp, needs_layout_passes=False)

_HIST_OUT_TYPE = (
    jax.ShapeDtypeStruct((NW, N_PAD), jnp.float32),
    jax.ShapeDtypeStruct((NW, N_PAD), jnp.float32),
)
_HIST_SCRATCH = [
    pltpu.VMEM((NCHUNK, CHUNK), jnp.int32),
    pltpu.VMEM((NCHUNK, CHUNK), jnp.int32),
    pltpu.VMEM((N_PAD,), jnp.float32),
    pltpu.VMEM((N_PAD,), jnp.float32),
]


def _sc_hist_body(src_hbm, dst_hbm, outs_hbm, outd_hbm,
                  sidx_v, didx_v, hs_v, hd_v):
    cid = lax.axis_index("c")
    sid = lax.axis_index("s")
    wid = cid * NS + sid
    ones16 = jnp.ones((16,), jnp.float32)
    zeros16 = jnp.zeros((16,), jnp.float32)

    @pl.loop(0, N_PAD, step=16)
    def _(i):
        hs_v[pl.ds(i, 16)] = zeros16
        hd_v[pl.ds(i, 16)] = zeros16

    pltpu.sync_copy(src_hbm.at[wid], sidx_v)
    pltpu.sync_copy(dst_hbm.at[wid], didx_v)

    @pl.loop(0, NCHUNK)
    def _(c):
        for j in range(8):
            iv = sidx_v[c, pl.ds(16 * j, 16)]
            plsc.addupdate_scatter(hs_v, [iv], ones16)
            dv = didx_v[c, pl.ds(16 * j, 16)]
            plsc.addupdate_scatter(hd_v, [dv], ones16)

    pltpu.sync_copy(hs_v, outs_hbm.at[wid])
    pltpu.sync_copy(hd_v, outd_hbm.at[wid])


_sc_hist = pl.kernel(
    _sc_hist_body, out_type=_HIST_OUT_TYPE, mesh=_mesh,
    scratch_types=_HIST_SCRATCH, compiler_params=_cp)


def _tc1_body(hs_ref, hd_ref, x_ref, w1_ref, hw_ref, do_ref, di_ref):
    deg_out = jnp.sum(hs_ref[...], axis=0, keepdims=True)
    deg_in = jnp.sum(hd_ref[...], axis=0, keepdims=True)
    do = lax.rsqrt(jnp.maximum(deg_out, 1.0)).reshape(N_PAD, 1)
    di = lax.rsqrt(jnp.maximum(deg_in, 1.0)).reshape(N_PAD, 1)
    do_ref[...] = do
    di_ref[...] = di
    hw_ref[...] = jnp.dot(x_ref[...] * do, w1_ref[...],
                          preferred_element_type=jnp.float32)


def _tc2_body(agg_ref, di_ref, do_ref, b_ref, w_ref, hw_ref):
    agg = agg_ref[0] + agg_ref[1]
    h = agg * di_ref[...] + b_ref[...]
    h = jnp.where(h >= 0.0, h, 0.01 * h)
    hw_ref[...] = jnp.dot(h * do_ref[...], w_ref[...],
                          preferred_element_type=jnp.float32)


def _tc3_body(agg_ref, di_ref, b_ref, wl_ref, bl_ref, out_ref):
    agg = agg_ref[0] + agg_ref[1]
    h = agg * di_ref[...] + b_ref[...]
    h = jnp.where(h >= 0.0, h, 0.01 * h)
    out_ref[...] = jnp.dot(h, wl_ref[...],
                           preferred_element_type=jnp.float32) + bl_ref[...]


def kernel(x, edge_index, W1, b1, W2, b2, Wl, bl):
    src = edge_index[0].astype(jnp.int32)
    dst = edge_index[1].astype(jnp.int32)
    n_extra = E_PAD - src.shape[0]
    pad_idx = N + (jnp.arange(n_extra, dtype=jnp.int32) % (N_PAD - N))
    src = jnp.concatenate([src, pad_idx]).reshape(NW, NCHUNK, CHUNK)
    dst = jnp.concatenate([dst, pad_idx]).reshape(NW, NCHUNK, CHUNK)

    x_pad = jnp.concatenate(
        [x, jnp.zeros((N_PAD - N, D), jnp.float32)], axis=0)

    zerosD = jnp.zeros((ROWS_PS, D), jnp.float32)

    hist_s, hist_d = _sc_hist(src, dst)

    hw1, do, di = pl.pallas_call(
        _tc1_body,
        out_shape=(
            jax.ShapeDtypeStruct((N_PAD, D), jnp.float32),
            jax.ShapeDtypeStruct((N_PAD, 1), jnp.float32),
            jax.ShapeDtypeStruct((N_PAD, 1), jnp.float32),
        ),
    )(hist_s, hist_d, x_pad, W1)

    agg1 = _sc_aggregate(hw1, src, dst, zerosD)

    hw2 = pl.pallas_call(
        _tc2_body,
        out_shape=jax.ShapeDtypeStruct((N_PAD, D), jnp.float32),
    )(agg1, di, do, b1.reshape(1, D), W2)

    agg2 = _sc_aggregate(hw2, src, dst, zerosD)

    out = pl.pallas_call(
        _tc3_body,
        out_shape=jax.ShapeDtypeStruct((N_PAD, C), jnp.float32),
    )(agg2, di, b2.reshape(1, D), Wl, bl.reshape(1, C))

    return out[:N]

# --- scband reference (transcript-rebuilt; emitter-appended) ---
"""Pipeline reference for scband-gcn-90494960926917 (READ-ONLY COPY).

The authoritative reference and input builder live on the scoring server;
editing this copy changes nothing except your own understanding.
"""

import jax, jax.numpy as jnp
import numpy as np

N = 10000
E = 320000
D_IN = 128
H1 = 128
H2 = 128
C = 16


def setup_inputs(seed: int = 0) -> dict:
    key = jax.random.key(seed)
    ks = jax.random.split(key, 8)
    x = jax.random.normal(ks[0], (N, D_IN), dtype=jnp.float32)
    edge_index = jax.random.randint(ks[1], (2, E), 0, N, dtype=jnp.int64)
    W1 = jax.random.normal(ks[2], (D_IN, H1), dtype=jnp.float32) * 0.05
    b1 = jnp.zeros((H1,), dtype=jnp.float32)
    W2 = jax.random.normal(ks[3], (H1, H2), dtype=jnp.float32) * 0.05
    b2 = jnp.zeros((H2,), dtype=jnp.float32)
    Wl = jax.random.normal(ks[4], (H2, C), dtype=jnp.float32) * 0.05
    bl = jnp.zeros((C,), dtype=jnp.float32)
    return {"x": x, "edge_index": edge_index, "W1": W1, "b1": b1, "W2": W2, "b2": b2, "Wl": Wl, "bl": bl}


def _graph_conv(h, src, dst, W, b):
    # DGL GraphConv with norm='both', allow_zero_in_degree=True
    ones = jnp.ones((E,), dtype=h.dtype)
    deg_out = jax.ops.segment_sum(ones, src, num_segments=N)
    deg_out = jnp.clip(deg_out, 1.0)
    h = h * (deg_out ** -0.5)[:, None]
    h = h @ W
    agg = jax.ops.segment_sum(h[src], dst, num_segments=N)
    deg_in = jax.ops.segment_sum(ones, dst, num_segments=N)
    deg_in = jnp.clip(deg_in, 1.0)
    return agg * (deg_in ** -0.5)[:, None] + b


def reference(x, edge_index, W1, b1, W2, b2, Wl, bl):
    src = edge_index[0]
    dst = edge_index[1]
    h = _graph_conv(x, src, dst, W1, b1)
    h = jax.nn.leaky_relu(h, negative_slope=0.01)
    h = _graph_conv(h, src, dst, W2, b2)
    h = jax.nn.leaky_relu(h, negative_slope=0.01)
    return h @ Wl + bl

if __name__ == "__main__":
    import jax
    _d = setup_inputs()
    print(jax.jit(kernel)(*tuple(_d.values())))

</pallas_src>

<mosaic_0001>
#map = affine_map<(d0, d1) -> (0, 0, 0)>
#map1 = affine_map<(d0, d1) -> (0, 0)>
module attributes {stable_mosaic.version = 14 : i64} {
  func.func @_sc_hist_body(%arg0: i32, %arg1: i32, %arg2: memref<32x80x128xi32, #tpu.memory_space<hbm>>, %arg3: memref<32x80x128xi32, #tpu.memory_space<hbm>>, %arg4: memref<32x10240xf32, #tpu.memory_space<hbm>>, %arg5: memref<32x10240xf32, #tpu.memory_space<hbm>>, %arg6: memref<80x128xi32, #tpu.memory_space<vmem>>, %arg7: memref<80x128xi32, #tpu.memory_space<vmem>>, %arg8: memref<10240xf32, #tpu.memory_space<vmem>>, %arg9: memref<10240xf32, #tpu.memory_space<vmem>>) attributes {dimension_semantics = [#tpu.dimension_semantics<core_parallel>, #tpu.dimension_semantics<subcore_parallel>], iteration_bounds = array<i64: 2, 16>, scalar_prefetch = 0 : i64, scratch_operands = 4 : i64, tpu.core_type = #tpu.core_type<sc_vector_subcore>, window_params = [{transform_indices = #map}, {transform_indices = #map}, {transform_indices = #map1}, {transform_indices = #map1}]} {
    %mul3A = arith.constant 16 : i32
    %mul3A_0 = arith.muli %arg0, %mul3A : i32
    %add3A = arith.addi %mul3A_0, %arg1 : i32
    %broadcast_in_dim3A = arith.constant 1.000000e+00 : f32
    %broadcast_in_dim3A_1 = vector.broadcast %broadcast_in_dim3A : f32 to vector<16xf32>
    %broadcast_in_dim3A_2 = arith.constant 0.000000e+00 : f32
    %broadcast_in_dim3A_3 = vector.broadcast %broadcast_in_dim3A_2 : f32 to vector<16xf32>
    %scan3A = arith.constant 0 : i32
    %scan3A_4 = arith.constant 640 : i32
    %scan3A_5 = arith.addi %scan3A, %scan3A_4 : i32
    %scan3A_6 = arith.constant 1 : i32
    scf.for %scan3A_13 = %scan3A to %scan3A_5 step %scan3A_6  : i32 {
      %mul3A_14 = arith.constant 16 : i32
      %mul3A_15 = arith.muli %scan3A_13, %mul3A_14 : i32
      %add3A_16 = arith.constant 0 : i32
      %add3A_17 = arith.addi %add3A_16, %mul3A_15 : i32
      %swap3A = arith.index_cast %add3A_17 : i32 to index
      %swap3A_18 = tpu.vector_load %arg8[%swap3A] {strides = array<i32>} : memref<10240xf32, #tpu.memory_space<vmem>>, vector<16xf32>,
      tpu.vector_store %arg8[%swap3A], %broadcast_in_dim3A_3 {strides = array<i32>} : memref<10240xf32, #tpu.memory_space<vmem>>, vector<16xf32>,
      %swap3A_19 = arith.index_cast %add3A_17 : i32 to index
      %swap3A_20 = tpu.vector_load %arg9[%swap3A_19] {strides = array<i32>} : memref<10240xf32, #tpu.memory_space<vmem>>, vector<16xf32>,
      tpu.vector_store %arg9[%swap3A_19], %broadcast_in_dim3A_3 {strides = array<i32>} : memref<10240xf32, #tpu.memory_space<vmem>>, vector<16xf32>,
    }
    %scan3A_7 = arith.constant 640 : i32
    "tpu.region"() ({
      %run_scoped3A = tpu.sem_alloc : memref<!tpu.dma_semaphore, #tpu.memory_space<semaphore_mem>>
      %dma_start3A = arith.constant 0 : i32
      %dma_start3A_13 = arith.constant 0 : i32
      %dma_start3A_14 = tpu.memref_slice %arg2[%add3A, %dma_start3A, %dma_start3A_13] : memref<32x80x128xi32, #tpu.memory_space<hbm>> -> memref<1x80x128xi32, #tpu.memory_space<hbm>>
      %dma_start3A_15 = tpu.memref_squeeze %dma_start3A_14 : memref<1x80x128xi32, #tpu.memory_space<hbm>> -> memref<80x128xi32, #tpu.memory_space<hbm>>
      %dma_start3A_16 = arith.constant 0 : i32
      %dma_start3A_17 = arith.constant 0 : i32
      %dma_start3A_18 = tpu.memref_slice %arg2[%add3A, %dma_start3A_16, %dma_start3A_17] : memref<32x80x128xi32, #tpu.memory_space<hbm>> -> memref<1x80x128xi32, #tpu.memory_space<hbm>>
      %dma_start3A_19 = tpu.memref_squeeze %dma_start3A_18 : memref<1x80x128xi32, #tpu.memory_space<hbm>> -> memref<80x128xi32, #tpu.memory_space<hbm>>
      tpu.enqueue_dma source(%dma_start3A_19 : memref<80x128xi32, #tpu.memory_space<hbm>>) target(%arg6 : memref<80x128xi32, #tpu.memory_space<vmem>>) target_semaphore(%run_scoped3A : memref<!tpu.dma_semaphore, #tpu.memory_space<semaphore_mem>>)
      %dma_wait3A = arith.constant 0 : i32
      %dma_wait3A_20 = arith.constant 0 : i32
      %dma_wait3A_21 = tpu.memref_slice %arg2[%add3A, %dma_wait3A, %dma_wait3A_20] : memref<32x80x128xi32, #tpu.memory_space<hbm>> -> memref<1x80x128xi32, #tpu.memory_space<hbm>>
      %dma_wait3A_22 = tpu.memref_squeeze %dma_wait3A_21 : memref<1x80x128xi32, #tpu.memory_space<hbm>> -> memref<80x128xi32, #tpu.memory_space<hbm>>
      %dma_wait3A_23 = arith.constant 0 : i32
      %dma_wait3A_24 = arith.constant 0 : i32
      %dma_wait3A_25 = tpu.memref_slice %arg2[%add3A, %dma_wait3A_23, %dma_wait3A_24] : memref<32x80x128xi32, #tpu.memory_space<hbm>> -> memref<1x80x128xi32, #tpu.memory_space<hbm>>
      %dma_wait3A_26 = tpu.memref_squeeze %dma_wait3A_25 : memref<1x80x128xi32, #tpu.memory_space<hbm>> -> memref<80x128xi32, #tpu.memory_space<hbm>>
      tpu.wait_dma2 semaphore(%run_scoped3A : memref<!tpu.dma_semaphore, #tpu.memory_space<semaphore_mem>>) src(%dma_wait3A_26 : memref<80x128xi32, #tpu.memory_space<hbm>>) dst(%arg6 : memref<80x128xi32, #tpu.memory_space<vmem>>)
      tpu.yield
    }) : () -> ()
    "tpu.region"() ({
      %run_scoped3A = tpu.sem_alloc : memref<!tpu.dma_semaphore, #tpu.memory_space<semaphore_mem>>
      %dma_start3A = arith.constant 0 : i32
      %dma_start3A_13 = arith.constant 0 : i32
      %dma_start3A_14 = tpu.memref_slice %arg3[%add3A, %dma_start3A, %dma_start3A_13] : memref<32x80x128xi32, #tpu.memory_space<hbm>> -> memref<1x80x128xi32, #tpu.memory_space<hbm>>
      %dma_start3A_15 = tpu.memref_squeeze %dma_start3A_14 : memref<1x80x128xi32, #tpu.memory_space<hbm>> -> memref<80x128xi32, #tpu.memory_space<hbm>>
      %dma_start3A_16 = arith.constant 0 : i32
      %dma_start3A_17 = arith.constant 0 : i32
      %dma_start3A_18 = tpu.memref_slice %arg3[%add3A, %dma_start3A_16, %dma_start3A_17] : memref<32x80x128xi32, #tpu.memory_space<hbm>> -> memref<1x80x128xi32, #tpu.memory_space<hbm>>
      %dma_start3A_19 = tpu.memref_squeeze %dma_start3A_18 : memref<1x80x128xi32, #tpu.memory_space<hbm>> -> memref<80x128xi32, #tpu.memory_space<hbm>>
      tpu.enqueue_dma source(%dma_start3A_19 : memref<80x128xi32, #tpu.memory_space<hbm>>) target(%arg7 : memref<80x128xi32, #tpu.memory_space<vmem>>) target_semaphore(%run_scoped3A : memref<!tpu.dma_semaphore, #tpu.memory_space<semaphore_mem>>)
      %dma_wait3A = arith.constant 0 : i32
      %dma_wait3A_20 = arith.constant 0 : i32
      %dma_wait3A_21 = tpu.memref_slice %arg3[%add3A, %dma_wait3A, %dma_wait3A_20] : memref<32x80x128xi32, #tpu.memory_space<hbm>> -> memref<1x80x128xi32, #tpu.memory_space<hbm>>
      %dma_wait3A_22 = tpu.memref_squeeze %dma_wait3A_21 : memref<1x80x128xi32, #tpu.memory_space<hbm>> -> memref<80x128xi32, #tpu.memory_space<hbm>>
      %dma_wait3A_23 = arith.constant 0 : i32
      %dma_wait3A_24 = arith.constant 0 : i32
      %dma_wait3A_25 = tpu.memref_slice %arg3[%add3A, %dma_wait3A_23, %dma_wait3A_24] : memref<32x80x128xi32, #tpu.memory_space<hbm>> -> memref<1x80x128xi32, #tpu.memory_space<hbm>>
      %dma_wait3A_26 = tpu.memref_squeeze %dma_wait3A_25 : memref<1x80x128xi32, #tpu.memory_space<hbm>> -> memref<80x128xi32, #tpu.memory_space<hbm>>
      tpu.wait_dma2 semaphore(%run_scoped3A : memref<!tpu.dma_semaphore, #tpu.memory_space<semaphore_mem>>) src(%dma_wait3A_26 : memref<80x128xi32, #tpu.memory_space<hbm>>) dst(%arg7 : memref<80x128xi32, #tpu.memory_space<vmem>>)
      tpu.yield
    }) : () -> ()
    %scan3A_8 = arith.constant 0 : i32
    %scan3A_9 = arith.constant 80 : i32
    %scan3A_10 = arith.addi %scan3A_8, %scan3A_9 : i32
    %scan3A_11 = arith.constant 1 : i32
    scf.for %scan3A_13 = %scan3A_8 to %scan3A_10 step %scan3A_11  : i32 {
      %mul3A_14 = arith.constant 1 : i32
      %mul3A_15 = arith.muli %scan3A_13, %mul3A_14 : i32
      %add3A_16 = arith.constant 0 : i32
      %add3A_17 = arith.addi %add3A_16, %mul3A_15 : i32
      %get3A = arith.index_cast %add3A_17 : i32 to index
      %get3A_18 = arith.constant 0 : index
      %get3A_19 = tpu.vector_load %arg6[%get3A, %get3A_18] {strides = array<i32>} : memref<80x128xi32, #tpu.memory_space<vmem>>, vector<16xi32>,
      tpu.vector_store_idx %arg8[%get3A_19], %broadcast_in_dim3A_1 {add = true} : memref<10240xf32, #tpu.memory_space<vmem>>[vector<16xi32>], vector<16xf32>,
      %get3A_20 = arith.index_cast %add3A_17 : i32 to index
      %get3A_21 = arith.constant 0 : index
      %get3A_22 = tpu.vector_load %arg7[%get3A_20, %get3A_21] {strides = array<i32>} : memref<80x128xi32, #tpu.memory_space<vmem>>, vector<16xi32>,
      tpu.vector_store_idx %arg9[%get3A_22], %broadcast_in_dim3A_1 {add = true} : memref<10240xf32, #tpu.memory_space<vmem>>[vector<16xi32>], vector<16xf32>,
      %get3A_23 = arith.index_cast %add3A_17 : i32 to index
      %get3A_24 = arith.constant 16 : index
      %get3A_25 = tpu.vector_load %arg6[%get3A_23, %get3A_24] {strides = array<i32>} : memref<80x128xi32, #tpu.memory_space<vmem>>, vector<16xi32>,
      tpu.vector_store_idx %arg8[%get3A_25], %broadcast_in_dim3A_1 {add = true} : memref<10240xf32, #tpu.memory_space<vmem>>[vector<16xi32>], vector<16xf32>,
      %get3A_26 = arith.index_cast %add3A_17 : i32 to index
      %get3A_27 = arith.constant 16 : index
      %get3A_28 = tpu.vector_load %arg7[%get3A_26, %get3A_27] {strides = array<i32>} : memref<80x128xi32, #tpu.memory_space<vmem>>, vector<16xi32>,
      tpu.vector_store_idx %arg9[%get3A_28], %broadcast_in_dim3A_1 {add = true} : memref<10240xf32, #tpu.memory_space<vmem>>[vector<16xi32>], vector<16xf32>,
      %get3A_29 = arith.index_cast %add3A_17 : i32 to index
      %get3A_30 = arith.constant 32 : index
      %get3A_31 = tpu.vector_load %arg6[%get3A_29, %get3A_30] {strides = array<i32>} : memref<80x128xi32, #tpu.memory_space<vmem>>, vector<16xi32>,
      tpu.vector_store_idx %arg8[%get3A_31], %broadcast_in_dim3A_1 {add = true} : memref<10240xf32, #tpu.memory_space<vmem>>[vector<16xi32>], vector<16xf32>,
      %get3A_32 = arith.index_cast %add3A_17 : i32 to index
      %get3A_33 = arith.constant 32 : index
      %get3A_34 = tpu.vector_load %arg7[%get3A_32, %get3A_33] {strides = array<i32>} : memref<80x128xi32, #tpu.memory_space<vmem>>, vector<16xi32>,
      tpu.vector_store_idx %arg9[%get3A_34], %broadcast_in_dim3A_1 {add = true} : memref<10240xf32, #tpu.memory_space<vmem>>[vector<16xi32>], vector<16xf32>,
      %get3A_35 = arith.index_cast %add3A_17 : i32 to index
      %get3A_36 = arith.constant 48 : index
      %get3A_37 = tpu.vector_load %arg6[%get3A_35, %get3A_36] {strides = array<i32>} : memref<80x128xi32, #tpu.memory_space<vmem>>, vector<16xi32>,
      tpu.vector_store_idx %arg8[%get3A_37], %broadcast_in_dim3A_1 {add = true} : memref<10240xf32, #tpu.memory_space<vmem>>[vector<16xi32>], vector<16xf32>,
      %get3A_38 = arith.index_cast %add3A_17 : i32 to index
      %get3A_39 = arith.constant 48 : index
      %get3A_40 = tpu.vector_load %arg7[%get3A_38, %get3A_39] {strides = array<i32>} : memref<80x128xi32, #tpu.memory_space<vmem>>, vector<16xi32>,
      tpu.vector_store_idx %arg9[%get3A_40], %broadcast_in_dim3A_1 {add = true} : memref<10240xf32, #tpu.memory_space<vmem>>[vector<16xi32>], vector<16xf32>,
      %get3A_41 = arith.index_cast %add3A_17 : i32 to index
      %get3A_42 = arith.constant 64 : index
      %get3A_43 = tpu.vector_load %arg6[%get3A_41, %get3A_42] {strides = array<i32>} : memref<80x128xi32, #tpu.memory_space<vmem>>, vector<16xi32>,
      tpu.vector_store_idx %arg8[%get3A_43], %broadcast_in_dim3A_1 {add = true} : memref<10240xf32, #tpu.memory_space<vmem>>[vector<16xi32>], vector<16xf32>,
      %get3A_44 = arith.index_cast %add3A_17 : i32 to index
      %get3A_45 = arith.constant 64 : index
      %get3A_46 = tpu.vector_load %arg7[%get3A_44, %get3A_45] {strides = array<i32>} : memref<80x128xi32, #tpu.memory_space<vmem>>, vector<16xi32>,
      tpu.vector_store_idx %arg9[%get3A_46], %broadcast_in_dim3A_1 {add = true} : memref<10240xf32, #tpu.memory_space<vmem>>[vector<16xi32>], vector<16xf32>,
      %get3A_47 = arith.index_cast %add3A_17 : i32 to index
      %get3A_48 = arith.constant 80 : index
      %get3A_49 = tpu.vector_load %arg6[%get3A_47, %get3A_48] {strides = array<i32>} : memref<80x128xi32, #tpu.memory_space<vmem>>, vector<16xi32>,
      tpu.vector_store_idx %arg8[%get3A_49], %broadcast_in_dim3A_1 {add = true} : memref<10240xf32, #tpu.memory_space<vmem>>[vector<16xi32>], vector<16xf32>,
      %get3A_50 = arith.index_cast %add3A_17 : i32 to index
      %get3A_51 = arith.constant 80 : index
      %get3A_52 = tpu.vector_load %arg7[%get3A_50, %get3A_51] {strides = array<i32>} : memref<80x128xi32, #tpu.memory_space<vmem>>, vector<16xi32>,
      tpu.vector_store_idx %arg9[%get3A_52], %broadcast_in_dim3A_1 {add = true} : memref<10240xf32, #tpu.memory_space<vmem>>[vector<16xi32>], vector<16xf32>,
      %get3A_53 = arith.index_cast %add3A_17 : i32 to index
      %get3A_54 = arith.constant 96 : index
      %get3A_55 = tpu.vector_load %arg6[%get3A_53, %get3A_54] {strides = array<i32>} : memref<80x128xi32, #tpu.memory_space<vmem>>, vector<16xi32>,
      tpu.vector_store_idx %arg8[%get3A_55], %broadcast_in_dim3A_1 {add = true} : memref<10240xf32, #tpu.memory_space<vmem>>[vector<16xi32>], vector<16xf32>,
      %get3A_56 = arith.index_cast %add3A_17 : i32 to index
      %get3A_57 = arith.constant 96 : index
      %get3A_58 = tpu.vector_load %arg7[%get3A_56, %get3A_57] {strides = array<i32>} : memref<80x128xi32, #tpu.memory_space<vmem>>, vector<16xi32>,
      tpu.vector_store_idx %arg9[%get3A_58], %broadcast_in_dim3A_1 {add = true} : memref<10240xf32, #tpu.memory_space<vmem>>[vector<16xi32>], vector<16xf32>,
      %get3A_59 = arith.index_cast %add3A_17 : i32 to index
      %get3A_60 = arith.constant 112 : index
      %get3A_61 = tpu.vector_load %arg6[%get3A_59, %get3A_60] {strides = array<i32>} : memref<80x128xi32, #tpu.memory_space<vmem>>, vector<16xi32>,
      tpu.vector_store_idx %arg8[%get3A_61], %broadcast_in_dim3A_1 {add = true} : memref<10240xf32, #tpu.memory_space<vmem>>[vector<16xi32>], vector<16xf32>,
      %get3A_62 = arith.index_cast %add3A_17 : i32 to index
      %get3A_63 = arith.constant 112 : index
      %get3A_64 = tpu.vector_load %arg7[%get3A_62, %get3A_63] {strides = array<i32>} : memref<80x128xi32, #tpu.memory_space<vmem>>, vector<16xi32>,
      tpu.vector_store_idx %arg9[%get3A_64], %broadcast_in_dim3A_1 {add = true} : memref<10240xf32, #tpu.memory_space<vmem>>[vector<16xi32>], vector<16xf32>,
    }
    %scan3A_12 = arith.constant 80 : i32
    "tpu.region"() ({
      %run_scoped3A = tpu.sem_alloc : memref<!tpu.dma_semaphore, #tpu.memory_space<semaphore_mem>>
      %dma_start3A = arith.constant 0 : i32
      %dma_start3A_13 = tpu.memref_slice %arg4[%add3A, %dma_start3A] : memref<32x10240xf32, #tpu.memory_space<hbm>> -> memref<1x10240xf32, #tpu.memory_space<hbm>>
      %dma_start3A_14 = tpu.memref_squeeze %dma_start3A_13 : memref<1x10240xf32, #tpu.memory_space<hbm>> -> memref<10240xf32, #tpu.memory_space<hbm>>
      %dma_start3A_15 = arith.constant 0 : i32
      %dma_start3A_16 = tpu.memref_slice %arg4[%add3A, %dma_start3A_15] : memref<32x10240xf32, #tpu.memory_space<hbm>> -> memref<1x10240xf32, #tpu.memory_space<hbm>>
      %dma_start3A_17 = tpu.memref_squeeze %dma_start3A_16 : memref<1x10240xf32, #tpu.memory_space<hbm>> -> memref<10240xf32, #tpu.memory_space<hbm>>
      tpu.enqueue_dma source(%arg8 : memref<10240xf32, #tpu.memory_space<vmem>>) target(%dma_start3A_17 : memref<10240xf32, #tpu.memory_space<hbm>>) target_semaphore(%run_scoped3A : memref<!tpu.dma_semaphore, #tpu.memory_space<semaphore_mem>>)
      %dma_wait3A = arith.constant 0 : i32
      %dma_wait3A_18 = tpu.memref_slice %arg4[%add3A, %dma_wait3A] : memref<32x10240xf32, #tpu.memory_space<hbm>> -> memref<1x10240xf32, #tpu.memory_space<hbm>>
      %dma_wait3A_19 = tpu.memref_squeeze %dma_wait3A_18 : memref<1x10240xf32, #tpu.memory_space<hbm>> -> memref<10240xf32, #tpu.memory_space<hbm>>
      %dma_wait3A_20 = arith.constant 0 : i32
      %dma_wait3A_21 = tpu.memref_slice %arg4[%add3A, %dma_wait3A_20] : memref<32x10240xf32, #tpu.memory_space<hbm>> -> memref<1x10240xf32, #tpu.memory_space<hbm>>
      %dma_wait3A_22 = tpu.memref_squeeze %dma_wait3A_21 : memref<1x10240xf32, #tpu.memory_space<hbm>> -> memref<10240xf32, #tpu.memory_space<hbm>>
      tpu.wait_dma2 semaphore(%run_scoped3A : memref<!tpu.dma_semaphore, #tpu.memory_space<semaphore_mem>>) src(%arg8 : memref<10240xf32, #tpu.memory_space<vmem>>) dst(%dma_wait3A_22 : memref<10240xf32, #tpu.memory_space<hbm>>)
      tpu.yield
    }) : () -> ()
    "tpu.region"() ({
      %run_scoped3A = tpu.sem_alloc : memref<!tpu.dma_semaphore, #tpu.memory_space<semaphore_mem>>
      %dma_start3A = arith.constant 0 : i32
      %dma_start3A_13 = tpu.memref_slice %arg5[%add3A, %dma_start3A] : memref<32x10240xf32, #tpu.memory_space<hbm>> -> memref<1x10240xf32, #tpu.memory_space<hbm>>
      %dma_start3A_14 = tpu.memref_squeeze %dma_start3A_13 : memref<1x10240xf32, #tpu.memory_space<hbm>> -> memref<10240xf32, #tpu.memory_space<hbm>>
      %dma_start3A_15 = arith.constant 0 : i32
      %dma_start3A_16 = tpu.memref_slice %arg5[%add3A, %dma_start3A_15] : memref<32x10240xf32, #tpu.memory_space<hbm>> -> memref<1x10240xf32, #tpu.memory_space<hbm>>
      %dma_start3A_17 = tpu.memref_squeeze %dma_start3A_16 : memref<1x10240xf32, #tpu.memory_space<hbm>> -> memref<10240xf32, #tpu.memory_space<hbm>>
      tpu.enqueue_dma source(%arg9 : memref<10240xf32, #tpu.memory_space<vmem>>) target(%dma_start3A_17 : memref<10240xf32, #tpu.memory_space<hbm>>) target_semaphore(%run_scoped3A : memref<!tpu.dma_semaphore, #tpu.memory_space<semaphore_mem>>)
      %dma_wait3A = arith.constant 0 : i32
      %dma_wait3A_18 = tpu.memref_slice %arg5[%add3A, %dma_wait3A] : memref<32x10240xf32, #tpu.memory_space<hbm>> -> memref<1x10240xf32, #tpu.memory_space<hbm>>
      %dma_wait3A_19 = tpu.memref_squeeze %dma_wait3A_18 : memref<1x10240xf32, #tpu.memory_space<hbm>> -> memref<10240xf32, #tpu.memory_space<hbm>>
      %dma_wait3A_20 = arith.constant 0 : i32
      %dma_wait3A_21 = tpu.memref_slice %arg5[%add3A, %dma_wait3A_20] : memref<32x10240xf32, #tpu.memory_space<hbm>> -> memref<1x10240xf32, #tpu.memory_space<hbm>>
      %dma_wait3A_22 = tpu.memref_squeeze %dma_wait3A_21 : memref<1x10240xf32, #tpu.memory_space<hbm>> -> memref<10240xf32, #tpu.memory_space<hbm>>
      tpu.wait_dma2 semaphore(%run_scoped3A : memref<!tpu.dma_semaphore, #tpu.memory_space<semaphore_mem>>) src(%arg9 : memref<10240xf32, #tpu.memory_space<vmem>>) dst(%dma_wait3A_22 : memref<10240xf32, #tpu.memory_space<hbm>>)
      tpu.yield
    }) : () -> ()
    return
  }
}

#map = affine_map<(d0, d1) -> (0, 0)>
#map1 = affine_map<(d0, d1) -> (0, 0, 0)>
module attributes {stable_mosaic.version = 14 : i64} {
  func.func @_sc_aggregate_body(%arg0: i32, %arg1: i32, %arg2: memref<10240x128xf32, #tpu.memory_space<hbm>>, %arg3: memref<32x80x128xi32, #tpu.memory_space<hbm>>, %arg4: memref<32x80x128xi32, #tpu.memory_space<hbm>>, %arg5: memref<640x128xf32, #tpu.memory_space<hbm>>, %arg6: memref<2x10240x128xf32, #tpu.memory_space<hbm>>, %arg7: memref<40x128xi32, #tpu.memory_space<vmem>>, %arg8: memref<40x128xi32, #tpu.memory_space<vmem>>, %arg9: memref<128x128xf32, #tpu.memory_space<vmem>>, %arg10: memref<128x128xf32, #tpu.memory_space<vmem>>, %arg11: memref<10240x128xf32, #tpu.memory_space<vmem_shared>>, %arg12: memref<!tpu.dma_semaphore, #tpu.memory_space<semaphore_mem>>, %arg13: memref<!tpu.dma_semaphore, #tpu.memory_space<semaphore_mem>>) attributes {dimension_semantics = [#tpu.dimension_semantics<core_parallel>, #tpu.dimension_semantics<subcore_parallel>], iteration_bounds = array<i64: 2, 16>, scalar_prefetch = 0 : i64, scratch_operands = 7 : i64, tpu.core_type = #tpu.core_type<sc_vector_subcore>, window_params = [{transform_indices = #map}, {transform_indices = #map1}, {transform_indices = #map1}, {transform_indices = #map}, {transform_indices = #map1}]} {
    %mul3A = arith.constant 16 : i32
    %mul3A_0 = arith.muli %arg0, %mul3A : i32
    %add3A = arith.addi %mul3A_0, %arg1 : i32
    %mul3A_1 = arith.constant 640 : i32
    %mul3A_2 = arith.muli %arg1, %mul3A_1 : i32
    "tpu.region"() ({
      %run_scoped3A = tpu.sem_alloc : memref<!tpu.dma_semaphore, #tpu.memory_space<semaphore_mem>>
      %dma_start3A_26 = arith.constant 0 : i32
      %dma_start3A_27 = tpu.memref_slice %arg11[%mul3A_2, %dma_start3A_26] : memref<10240x128xf32, #tpu.memory_space<vmem_shared>> -> memref<640x128xf32, #tpu.memory_space<vmem_shared>>
      tpu.enqueue_dma source(%arg5 : memref<640x128xf32, #tpu.memory_space<hbm>>) target(%dma_start3A_27 : memref<640x128xf32, #tpu.memory_space<vmem_shared>>) target_semaphore(%run_scoped3A : memref<!tpu.dma_semaphore, #tpu.memory_space<semaphore_mem>>)
      %dma_wait3A = arith.constant 0 : i32
      %dma_wait3A_28 = tpu.memref_slice %arg11[%mul3A_2, %dma_wait3A] : memref<10240x128xf32, #tpu.memory_space<vmem_shared>> -> memref<640x128xf32, #tpu.memory_space<vmem_shared>>
      tpu.wait_dma2 semaphore(%run_scoped3A : memref<!tpu.dma_semaphore, #tpu.memory_space<semaphore_mem>>) src(%arg5 : memref<640x128xf32, #tpu.memory_space<hbm>>) dst(%dma_wait3A_28 : memref<640x128xf32, #tpu.memory_space<vmem_shared>>)
      tpu.yield
    }) : () -> ()
    %barrier3A = arith.constant 0 : index
    tpu.barrier barrier_id(%barrier3A)
    "tpu.region"() ({
      %run_scoped3A = tpu.sem_alloc : memref<!tpu.dma_semaphore, #tpu.memory_space<semaphore_mem>>
      %dma_start3A_26 = arith.constant 0 : i32
      %dma_start3A_27 = arith.constant 0 : i32
      %dma_start3A_28 = tpu.memref_slice %arg3[%add3A, %dma_start3A_26, %dma_start3A_27] : memref<32x80x128xi32, #tpu.memory_space<hbm>> -> memref<1x40x128xi32, #tpu.memory_space<hbm>>
      %dma_start3A_29 = tpu.memref_squeeze %dma_start3A_28 : memref<1x40x128xi32, #tpu.memory_space<hbm>> -> memref<40x128xi32, #tpu.memory_space<hbm>>
      %dma_start3A_30 = arith.constant 0 : i32
      %dma_start3A_31 = arith.constant 0 : i32
      %dma_start3A_32 = tpu.memref_slice %arg3[%add3A, %dma_start3A_30, %dma_start3A_31] : memref<32x80x128xi32, #tpu.memory_space<hbm>> -> memref<1x40x128xi32, #tpu.memory_space<hbm>>
      %dma_start3A_33 = tpu.memref_squeeze %dma_start3A_32 : memref<1x40x128xi32, #tpu.memory_space<hbm>> -> memref<40x128xi32, #tpu.memory_space<hbm>>
      tpu.enqueue_dma source(%dma_start3A_33 : memref<40x128xi32, #tpu.memory_space<hbm>>) target(%arg7 : memref<40x128xi32, #tpu.memory_space<vmem>>) target_semaphore(%run_scoped3A : memref<!tpu.dma_semaphore, #tpu.memory_space<semaphore_mem>>)
      %dma_wait3A = arith.constant 0 : i32
      %dma_wait3A_34 = arith.constant 0 : i32
      %dma_wait3A_35 = tpu.memref_slice %arg3[%add3A, %dma_wait3A, %dma_wait3A_34] : memref<32x80x128xi32, #tpu.memory_space<hbm>> -> memref<1x40x128xi32, #tpu.memory_space<hbm>>
      %dma_wait3A_36 = tpu.memref_squeeze %dma_wait3A_35 : memref<1x40x128xi32, #tpu.memory_space<hbm>> -> memref<40x128xi32, #tpu.memory_space<hbm>>
      %dma_wait3A_37 = arith.constant 0 : i32
      %dma_wait3A_38 = arith.constant 0 : i32
      %dma_wait3A_39 = tpu.memref_slice %arg3[%add3A, %dma_wait3A_37, %dma_wait3A_38] : memref<32x80x128xi32, #tpu.memory_space<hbm>> -> memref<1x40x128xi32, #tpu.memory_space<hbm>>
      %dma_wait3A_40 = tpu.memref_squeeze %dma_wait3A_39 : memref<1x40x128xi32, #tpu.memory_space<hbm>> -> memref<40x128xi32, #tpu.memory_space<hbm>>
      tpu.wait_dma2 semaphore(%run_scoped3A : memref<!tpu.dma_semaphore, #tpu.memory_space<semaphore_mem>>) src(%dma_wait3A_40 : memref<40x128xi32, #tpu.memory_space<hbm>>) dst(%arg7 : memref<40x128xi32, #tpu.memory_space<vmem>>)
      tpu.yield
    }) : () -> ()
    "tpu.region"() ({
      %run_scoped3A = tpu.sem_alloc : memref<!tpu.dma_semaphore, #tpu.memory_space<semaphore_mem>>
      %dma_start3A_26 = arith.constant 0 : i32
      %dma_start3A_27 = arith.constant 0 : i32
      %dma_start3A_28 = tpu.memref_slice %arg4[%add3A, %dma_start3A_26, %dma_start3A_27] : memref<32x80x128xi32, #tpu.memory_space<hbm>> -> memref<1x40x128xi32, #tpu.memory_space<hbm>>
      %dma_start3A_29 = tpu.memref_squeeze %dma_start3A_28 : memref<1x40x128xi32, #tpu.memory_space<hbm>> -> memref<40x128xi32, #tpu.memory_space<hbm>>
      %dma_start3A_30 = arith.constant 0 : i32
      %dma_start3A_31 = arith.constant 0 : i32
      %dma_start3A_32 = tpu.memref_slice %arg4[%add3A, %dma_start3A_30, %dma_start3A_31] : memref<32x80x128xi32, #tpu.memory_space<hbm>> -> memref<1x40x128xi32, #tpu.memory_space<hbm>>
      %dma_start3A_33 = tpu.memref_squeeze %dma_start3A_32 : memref<1x40x128xi32, #tpu.memory_space<hbm>> -> memref<40x128xi32, #tpu.memory_space<hbm>>
      tpu.enqueue_dma source(%dma_start3A_33 : memref<40x128xi32, #tpu.memory_space<hbm>>) target(%arg8 : memref<40x128xi32, #tpu.memory_space<vmem>>) target_semaphore(%run_scoped3A : memref<!tpu.dma_semaphore, #tpu.memory_space<semaphore_mem>>)
      %dma_wait3A = arith.constant 0 : i32
      %dma_wait3A_34 = arith.constant 0 : i32
      %dma_wait3A_35 = tpu.memref_slice %arg4[%add3A, %dma_wait3A, %dma_wait3A_34] : memref<32x80x128xi32, #tpu.memory_space<hbm>> -> memref<1x40x128xi32, #tpu.memory_space<hbm>>
      %dma_wait3A_36 = tpu.memref_squeeze %dma_wait3A_35 : memref<1x40x128xi32, #tpu.memory_space<hbm>> -> memref<40x128xi32, #tpu.memory_space<hbm>>
      %dma_wait3A_37 = arith.constant 0 : i32
      %dma_wait3A_38 = arith.constant 0 : i32
      %dma_wait3A_39 = tpu.memref_slice %arg4[%add3A, %dma_wait3A_37, %dma_wait3A_38] : memref<32x80x128xi32, #tpu.memory_space<hbm>> -> memref<1x40x128xi32, #tpu.memory_space<hbm>>
      %dma_wait3A_40 = tpu.memref_squeeze %dma_wait3A_39 : memref<1x40x128xi32, #tpu.memory_space<hbm>> -> memref<40x128xi32, #tpu.memory_space<hbm>>
      tpu.wait_dma2 semaphore(%run_scoped3A : memref<!tpu.dma_semaphore, #tpu.memory_space<semaphore_mem>>) src(%dma_wait3A_40 : memref<40x128xi32, #tpu.memory_space<hbm>>) dst(%arg8 : memref<40x128xi32, #tpu.memory_space<vmem>>)
      tpu.yield
    }) : () -> ()
    %dma_start3A = arith.constant 0 : i32
    %dma_start3A_3 = arith.constant 0 : i32
    %dma_start3A_4 = tpu.memref_slice %arg7[%dma_start3A, %dma_start3A_3] : memref<40x128xi32, #tpu.memory_space<vmem>> -> memref<1x128xi32, #tpu.memory_space<vmem>>
    %dma_start3A_5 = tpu.memref_squeeze %dma_start3A_4 : memref<1x128xi32, #tpu.memory_space<vmem>> -> memref<128xi32, #tpu.memory_space<vmem>>
    %dma_start3A_6 = arith.constant 0 : i32
    %dma_start3A_7 = arith.constant 0 : i32
    %dma_start3A_8 = tpu.memref_slice %arg2[%dma_start3A_6, %dma_start3A_7] : memref<10240x128xf32, #tpu.memory_space<hbm>> -> memref<10240x128xf32, #tpu.memory_space<hbm>>
    tpu.enqueue_indirect_dma source(%dma_start3A_8 : memref<10240x128xf32, #tpu.memory_space<hbm>>) target(%arg9 : memref<128x128xf32, #tpu.memory_space<vmem>>) offsets(%dma_start3A_5 : memref<128xi32, #tpu.memory_space<vmem>>) semaphore(%arg12 : memref<!tpu.dma_semaphore, #tpu.memory_space<semaphore_mem>>)
    %scan3A = arith.constant 0 : i32
    %scan3A_9 = arith.constant 20 : i32
    %scan3A_10 = arith.addi %scan3A, %scan3A_9 : i32
    %scan3A_11 = arith.constant 1 : i32
    scf.for %scan3A_26 = %scan3A to %scan3A_10 step %scan3A_11  : i32 {
      %mul3A_27 = arith.constant 2 : i32
      %mul3A_28 = arith.muli %scan3A_26, %mul3A_27 : i32
      %add3A_29 = arith.constant 0 : i32
      %add3A_30 = arith.addi %add3A_29, %mul3A_28 : i32
      %add3A_31 = arith.constant 0 : i32
      %add3A_32 = arith.addi %add3A_30, %add3A_31 : i32
      %add3A_33 = arith.constant 1 : i32
      %add3A_34 = arith.addi %add3A_32, %add3A_33 : i32
      %lt3A = arith.constant 40 : i32
      %lt3A_35 = arith.cmpi slt, %add3A_34, %lt3A : i32
      %convert_element_type3A = arith.extui %lt3A_35 : i1 to i32
      %cond3A = arith.constant 0 : i32
      %cond3A_36 = arith.cmpi ne, %convert_element_type3A, %cond3A : i32
      scf.if %cond3A_36 {
        %add3A_57 = arith.constant 1 : i32
        %add3A_58 = arith.addi %add3A_32, %add3A_57 : i32
        %dma_start3A_59 = arith.constant 0 : i32
        %dma_start3A_60 = tpu.memref_slice %arg7[%add3A_58, %dma_start3A_59] : memref<40x128xi32, #tpu.memory_space<vmem>> -> memref<1x128xi32, #tpu.memory_space<vmem>>
        %dma_start3A_61 = tpu.memref_squeeze %dma_start3A_60 : memref<1x128xi32, #tpu.memory_space<vmem>> -> memref<128xi32, #tpu.memory_space<vmem>>
        %dma_start3A_62 = arith.constant 0 : i32
        %dma_start3A_63 = arith.constant 0 : i32
        %dma_start3A_64 = tpu.memref_slice %arg2[%dma_start3A_62, %dma_start3A_63] : memref<10240x128xf32, #tpu.memory_space<hbm>> -> memref<10240x128xf32, #tpu.memory_space<hbm>>
        tpu.enqueue_indirect_dma source(%dma_start3A_64 : memref<10240x128xf32, #tpu.memory_space<hbm>>) target(%arg10 : memref<128x128xf32, #tpu.memory_space<vmem>>) offsets(%dma_start3A_61 : memref<128xi32, #tpu.memory_space<vmem>>) semaphore(%arg13 : memref<!tpu.dma_semaphore, #tpu.memory_space<semaphore_mem>>)
      } else {
      }
      %dma_wait3A = arith.constant 0 : i32
      %dma_wait3A_37 = tpu.memref_slice %arg7[%add3A_32, %dma_wait3A] : memref<40x128xi32, #tpu.memory_space<vmem>> -> memref<1x128xi32, #tpu.memory_space<vmem>>
      %dma_wait3A_38 = tpu.memref_squeeze %dma_wait3A_37 : memref<1x128xi32, #tpu.memory_space<vmem>> -> memref<128xi32, #tpu.memory_space<vmem>>
      %dma_wait3A_39 = arith.constant 0 : i32
      %dma_wait3A_40 = arith.constant 0 : i32
      %dma_wait3A_41 = tpu.memref_slice %arg2[%dma_wait3A_39, %dma_wait3A_40] : memref<10240x128xf32, #tpu.memory_space<hbm>> -> memref<10240x128xf32, #tpu.memory_space<hbm>>
      tpu.wait_indirect_dma semaphore(%arg12 : memref<!tpu.dma_semaphore, #tpu.memory_space<semaphore_mem>>) src(%dma_wait3A_41 : memref<10240x128xf32, #tpu.memory_space<hbm>>) dst(%arg9 : memref<128x128xf32, #tpu.memory_space<vmem>>)
      "tpu.region"() ({
        %run_scoped3A = tpu.sem_alloc : memref<!tpu.dma_semaphore, #tpu.memory_space<semaphore_mem>>
        %dma_start3A_57 = arith.constant 0 : i32
        %dma_start3A_58 = tpu.memref_slice %arg8[%add3A_32, %dma_start3A_57] : memref<40x128xi32, #tpu.memory_space<vmem>> -> memref<1x128xi32, #tpu.memory_space<vmem>>
        %dma_start3A_59 = tpu.memref_squeeze %dma_start3A_58 : memref<1x128xi32, #tpu.memory_space<vmem>> -> memref<128xi32, #tpu.memory_space<vmem>>
        %dma_start3A_60 = arith.constant 0 : i32
        %dma_start3A_61 = arith.constant 0 : i32
        %dma_start3A_62 = tpu.memref_slice %arg11[%dma_start3A_60, %dma_start3A_61] : memref<10240x128xf32, #tpu.memory_space<vmem_shared>> -> memref<10240x128xf32, #tpu.memory_space<vmem_shared>>
        tpu.enqueue_indirect_dma source(%arg9 : memref<128x128xf32, #tpu.memory_space<vmem>>) target(%dma_start3A_62 : memref<10240x128xf32, #tpu.memory_space<vmem_shared>>) offsets(%dma_start3A_59 : memref<128xi32, #tpu.memory_space<vmem>>) semaphore(%run_scoped3A : memref<!tpu.dma_semaphore, #tpu.memory_space<semaphore_mem>>) {add = true}
        %dma_wait3A_63 = arith.constant 0 : i32
        %dma_wait3A_64 = tpu.memref_slice %arg8[%add3A_32, %dma_wait3A_63] : memref<40x128xi32, #tpu.memory_space<vmem>> -> memref<1x128xi32, #tpu.memory_space<vmem>>
        %dma_wait3A_65 = tpu.memref_squeeze %dma_wait3A_64 : memref<1x128xi32, #tpu.memory_space<vmem>> -> memref<128xi32, #tpu.memory_space<vmem>>
        %dma_wait3A_66 = arith.constant 0 : i32
        %dma_wait3A_67 = arith.constant 0 : i32
        %dma_wait3A_68 = tpu.memref_slice %arg11[%dma_wait3A_66, %dma_wait3A_67] : memref<10240x128xf32, #tpu.memory_space<vmem_shared>> -> memref<10240x128xf32, #tpu.memory_space<vmem_shared>>
        tpu.wait_indirect_dma semaphore(%run_scoped3A : memref<!tpu.dma_semaphore, #tpu.memory_space<semaphore_mem>>) src(%arg9 : memref<128x128xf32, #tpu.memory_space<vmem>>) dst(%dma_wait3A_68 : memref<10240x128xf32, #tpu.memory_space<vmem_shared>>)
        tpu.yield
      }) : () -> ()
      %add3A_42 = arith.constant 1 : i32
      %add3A_43 = arith.addi %add3A_30, %add3A_42 : i32
      %add3A_44 = arith.constant 1 : i32
      %add3A_45 = arith.addi %add3A_43, %add3A_44 : i32
      %lt3A_46 = arith.constant 40 : i32
      %lt3A_47 = arith.cmpi slt, %add3A_45, %lt3A_46 : i32
      %convert_element_type3A_48 = arith.extui %lt3A_47 : i1 to i32
      %cond3A_49 = arith.constant 0 : i32
      %cond3A_50 = arith.cmpi ne, %convert_element_type3A_48, %cond3A_49 : i32
      scf.if %cond3A_50 {
        %add3A_57 = arith.constant 1 : i32
        %add3A_58 = arith.addi %add3A_43, %add3A_57 : i32
        %dma_start3A_59 = arith.constant 0 : i32
        %dma_start3A_60 = tpu.memref_slice %arg7[%add3A_58, %dma_start3A_59] : memref<40x128xi32, #tpu.memory_space<vmem>> -> memref<1x128xi32, #tpu.memory_space<vmem>>
        %dma_start3A_61 = tpu.memref_squeeze %dma_start3A_60 : memref<1x128xi32, #tpu.memory_space<vmem>> -> memref<128xi32, #tpu.memory_space<vmem>>
        %dma_start3A_62 = arith.constant 0 : i32
        %dma_start3A_63 = arith.constant 0 : i32
        %dma_start3A_64 = tpu.memref_slice %arg2[%dma_start3A_62, %dma_start3A_63] : memref<10240x128xf32, #tpu.memory_space<hbm>> -> memref<10240x128xf32, #tpu.memory_space<hbm>>
        tpu.enqueue_indirect_dma source(%dma_start3A_64 : memref<10240x128xf32, #tpu.memory_space<hbm>>) target(%arg9 : memref<128x128xf32, #tpu.memory_space<vmem>>) offsets(%dma_start3A_61 : memref<128xi32, #tpu.memory_space<vmem>>) semaphore(%arg12 : memref<!tpu.dma_semaphore, #tpu.memory_space<semaphore_mem>>)
      } else {
      }
      %dma_wait3A_51 = arith.constant 0 : i32
      %dma_wait3A_52 = tpu.memref_slice %arg7[%add3A_43, %dma_wait3A_51] : memref<40x128xi32, #tpu.memory_space<vmem>> -> memref<1x128xi32, #tpu.memory_space<vmem>>
      %dma_wait3A_53 = tpu.memref_squeeze %dma_wait3A_52 : memref<1x128xi32, #tpu.memory_space<vmem>> -> memref<128xi32, #tpu.memory_space<vmem>>
      %dma_wait3A_54 = arith.constant 0 : i32
      %dma_wait3A_55 = arith.constant 0 : i32
      %dma_wait3A_56 = tpu.memref_slice %arg2[%dma_wait3A_54, %dma_wait3A_55] : memref<10240x128xf32, #tpu.memory_space<hbm>> -> memref<10240x128xf32, #tpu.memory_space<hbm>>
      tpu.wait_indirect_dma semaphore(%arg13 : memref<!tpu.dma_semaphore, #tpu.memory_space<semaphore_mem>>) src(%dma_wait3A_56 : memref<10240x128xf32, #tpu.memory_space<hbm>>) dst(%arg10 : memref<128x128xf32, #tpu.memory_space<vmem>>)
      "tpu.region"() ({
        %run_scoped3A = tpu.sem_alloc : memref<!tpu.dma_semaphore, #tpu.memory_space<semaphore_mem>>
        %dma_start3A_57 = arith.constant 0 : i32
        %dma_start3A_58 = tpu.memref_slice %arg8[%add3A_43, %dma_start3A_57] : memref<40x128xi32, #tpu.memory_space<vmem>> -> memref<1x128xi32, #tpu.memory_space<vmem>>
        %dma_start3A_59 = tpu.memref_squeeze %dma_start3A_58 : memref<1x128xi32, #tpu.memory_space<vmem>> -> memref<128xi32, #tpu.memory_space<vmem>>
        %dma_start3A_60 = arith.constant 0 : i32
        %dma_start3A_61 = arith.constant 0 : i32
        %dma_start3A_62 = tpu.memref_slice %arg11[%dma_start3A_60, %dma_start3A_61] : memref<10240x128xf32, #tpu.memory_space<vmem_shared>> -> memref<10240x128xf32, #tpu.memory_space<vmem_shared>>
        tpu.enqueue_indirect_dma source(%arg10 : memref<128x128xf32, #tpu.memory_space<vmem>>) target(%dma_start3A_62 : memref<10240x128xf32, #tpu.memory_space<vmem_shared>>) offsets(%dma_start3A_59 : memref<128xi32, #tpu.memory_space<vmem>>) semaphore(%run_scoped3A : memref<!tpu.dma_semaphore, #tpu.memory_space<semaphore_mem>>) {add = true}
        %dma_wait3A_63 = arith.constant 0 : i32
        %dma_wait3A_64 = tpu.memref_slice %arg8[%add3A_43, %dma_wait3A_63] : memref<40x128xi32, #tpu.memory_space<vmem>> -> memref<1x128xi32, #tpu.memory_space<vmem>>
        %dma_wait3A_65 = tpu.memref_squeeze %dma_wait3A_64 : memref<1x128xi32, #tpu.memory_space<vmem>> -> memref<128xi32, #tpu.memory_space<vmem>>
        %dma_wait3A_66 = arith.constant 0 : i32
        %dma_wait3A_67 = arith.constant 0 : i32
        %dma_wait3A_68 = tpu.memref_slice %arg11[%dma_wait3A_66, %dma_wait3A_67] : memref<10240x128xf32, #tpu.memory_space<vmem_shared>> -> memref<10240x128xf32, #tpu.memory_space<vmem_shared>>
        tpu.wait_indirect_dma semaphore(%run_scoped3A : memref<!tpu.dma_semaphore, #tpu.memory_space<semaphore_mem>>) src(%arg10 : memref<128x128xf32, #tpu.memory_space<vmem>>) dst(%dma_wait3A_68 : memref<10240x128xf32, #tpu.memory_space<vmem_shared>>)
        tpu.yield
      }) : () -> ()
    }
    %scan3A_12 = arith.constant 20 : i32
    "tpu.region"() ({
      %run_scoped3A = tpu.sem_alloc : memref<!tpu.dma_semaphore, #tpu.memory_space<semaphore_mem>>
      %dma_start3A_26 = arith.constant 40 : i32
      %dma_start3A_27 = arith.constant 0 : i32
      %dma_start3A_28 = tpu.memref_slice %arg3[%add3A, %dma_start3A_26, %dma_start3A_27] : memref<32x80x128xi32, #tpu.memory_space<hbm>> -> memref<1x40x128xi32, #tpu.memory_space<hbm>>
      %dma_start3A_29 = tpu.memref_squeeze %dma_start3A_28 : memref<1x40x128xi32, #tpu.memory_space<hbm>> -> memref<40x128xi32, #tpu.memory_space<hbm>>
      %dma_start3A_30 = arith.constant 40 : i32
      %dma_start3A_31 = arith.constant 0 : i32
      %dma_start3A_32 = tpu.memref_slice %arg3[%add3A, %dma_start3A_30, %dma_start3A_31] : memref<32x80x128xi32, #tpu.memory_space<hbm>> -> memref<1x40x128xi32, #tpu.memory_space<hbm>>
      %dma_start3A_33 = tpu.memref_squeeze %dma_start3A_32 : memref<1x40x128xi32, #tpu.memory_space<hbm>> -> memref<40x128xi32, #tpu.memory_space<hbm>>
      tpu.enqueue_dma source(%dma_start3A_33 : memref<40x128xi32, #tpu.memory_space<hbm>>) target(%arg7 : memref<40x128xi32, #tpu.memory_space<vmem>>) target_semaphore(%run_scoped3A : memref<!tpu.dma_semaphore, #tpu.memory_space<semaphore_mem>>)
      %dma_wait3A = arith.constant 40 : i32
      %dma_wait3A_34 = arith.constant 0 : i32
      %dma_wait3A_35 = tpu.memref_slice %arg3[%add3A, %dma_wait3A, %dma_wait3A_34] : memref<32x80x128xi32, #tpu.memory_space<hbm>> -> memref<1x40x128xi32, #tpu.memory_space<hbm>>
      %dma_wait3A_36 = tpu.memref_squeeze %dma_wait3A_35 : memref<1x40x128xi32, #tpu.memory_space<hbm>> -> memref<40x128xi32, #tpu.memory_space<hbm>>
      %dma_wait3A_37 = arith.constant 40 : i32
      %dma_wait3A_38 = arith.constant 0 : i32
      %dma_wait3A_39 = tpu.memref_slice %arg3[%add3A, %dma_wait3A_37, %dma_wait3A_38] : memref<32x80x128xi32, #tpu.memory_space<hbm>> -> memref<1x40x128xi32, #tpu.memory_space<hbm>>
      %dma_wait3A_40 = tpu.memref_squeeze %dma_wait3A_39 : memref<1x40x128xi32, #tpu.memory_space<hbm>> -> memref<40x128xi32, #tpu.memory_space<hbm>>
      tpu.wait_dma2 semaphore(%run_scoped3A : memref<!tpu.dma_semaphore, #tpu.memory_space<semaphore_mem>>) src(%dma_wait3A_40 : memref<40x128xi32, #tpu.memory_space<hbm>>) dst(%arg7 : memref<40x128xi32, #tpu.memory_space<vmem>>)
      tpu.yield
    }) : () -> ()
    "tpu.region"() ({
      %run_scoped3A = tpu.sem_alloc : memref<!tpu.dma_semaphore, #tpu.memory_space<semaphore_mem>>
      %dma_start3A_26 = arith.constant 40 : i32
      %dma_start3A_27 = arith.constant 0 : i32
      %dma_start3A_28 = tpu.memref_slice %arg4[%add3A, %dma_start3A_26, %dma_start3A_27] : memref<32x80x128xi32, #tpu.memory_space<hbm>> -> memref<1x40x128xi32, #tpu.memory_space<hbm>>
      %dma_start3A_29 = tpu.memref_squeeze %dma_start3A_28 : memref<1x40x128xi32, #tpu.memory_space<hbm>> -> memref<40x128xi32, #tpu.memory_space<hbm>>
      %dma_start3A_30 = arith.constant 40 : i32
      %dma_start3A_31 = arith.constant 0 : i32
      %dma_start3A_32 = tpu.memref_slice %arg4[%add3A, %dma_start3A_30, %dma_start3A_31] : memref<32x80x128xi32, #tpu.memory_space<hbm>> -> memref<1x40x128xi32, #tpu.memory_space<hbm>>
      %dma_start3A_33 = tpu.memref_squeeze %dma_start3A_32 : memref<1x40x128xi32, #tpu.memory_space<hbm>> -> memref<40x128xi32, #tpu.memory_space<hbm>>
      tpu.enqueue_dma source(%dma_start3A_33 : memref<40x128xi32, #tpu.memory_space<hbm>>) target(%arg8 : memref<40x128xi32, #tpu.memory_space<vmem>>) target_semaphore(%run_scoped3A : memref<!tpu.dma_semaphore, #tpu.memory_space<semaphore_mem>>)
      %dma_wait3A = arith.constant 40 : i32
      %dma_wait3A_34 = arith.constant 0 : i32
      %dma_wait3A_35 = tpu.memref_slice %arg4[%add3A, %dma_wait3A, %dma_wait3A_34] : memref<32x80x128xi32, #tpu.memory_space<hbm>> -> memref<1x40x128xi32, #tpu.memory_space<hbm>>
      %dma_wait3A_36 = tpu.memref_squeeze %dma_wait3A_35 : memref<1x40x128xi32, #tpu.memory_space<hbm>> -> memref<40x128xi32, #tpu.memory_space<hbm>>
      %dma_wait3A_37 = arith.constant 40 : i32
      %dma_wait3A_38 = arith.constant 0 : i32
      %dma_wait3A_39 = tpu.memref_slice %arg4[%add3A, %dma_wait3A_37, %dma_wait3A_38] : memref<32x80x128xi32, #tpu.memory_space<hbm>> -> memref<1x40x128xi32, #tpu.memory_space<hbm>>
      %dma_wait3A_40 = tpu.memref_squeeze %dma_wait3A_39 : memref<1x40x128xi32, #tpu.memory_space<hbm>> -> memref<40x128xi32, #tpu.memory_space<hbm>>
      tpu.wait_dma2 semaphore(%run_scoped3A : memref<!tpu.dma_semaphore, #tpu.memory_space<semaphore_mem>>) src(%dma_wait3A_40 : memref<40x128xi32, #tpu.memory_space<hbm>>) dst(%arg8 : memref<40x128xi32, #tpu.memory_space<vmem>>)
      tpu.yield
    }) : () -> ()
    %dma_start3A_13 = arith.constant 0 : i32
    %dma_start3A_14 = arith.constant 0 : i32
    %dma_start3A_15 = tpu.memref_slice %arg7[%dma_start3A_13, %dma_start3A_14] : memref<40x128xi32, #tpu.memory_space<vmem>> -> memref<1x128xi32, #tpu.memory_space<vmem>>
    %dma_start3A_16 = tpu.memref_squeeze %dma_start3A_15 : memref<1x128xi32, #tpu.memory_space<vmem>> -> memref<128xi32, #tpu.memory_space<vmem>>
    %dma_start3A_17 = arith.constant 0 : i32
    %dma_start3A_18 = arith.constant 0 : i32
    %dma_start3A_19 = tpu.memref_slice %arg2[%dma_start3A_17, %dma_start3A_18] : memref<10240x128xf32, #tpu.memory_space<hbm>> -> memref<10240x128xf32, #tpu.memory_space<hbm>>
    tpu.enqueue_indirect_dma source(%dma_start3A_19 : memref<10240x128xf32, #tpu.memory_space<hbm>>) target(%arg9 : memref<128x128xf32, #tpu.memory_space<vmem>>) offsets(%dma_start3A_16 : memref<128xi32, #tpu.memory_space<vmem>>) semaphore(%arg12 : memref<!tpu.dma_semaphore, #tpu.memory_space<semaphore_mem>>)
    %scan3A_20 = arith.constant 0 : i32
    %scan3A_21 = arith.constant 20 : i32
    %scan3A_22 = arith.addi %scan3A_20, %scan3A_21 : i32
    %scan3A_23 = arith.constant 1 : i32
    scf.for %scan3A_26 = %scan3A_20 to %scan3A_22 step %scan3A_23  : i32 {
      %mul3A_27 = arith.constant 2 : i32
      %mul3A_28 = arith.muli %scan3A_26, %mul3A_27 : i32
      %add3A_29 = arith.constant 0 : i32
      %add3A_30 = arith.addi %add3A_29, %mul3A_28 : i32
      %add3A_31 = arith.constant 0 : i32
      %add3A_32 = arith.addi %add3A_30, %add3A_31 : i32
      %add3A_33 = arith.constant 1 : i32
      %add3A_34 = arith.addi %add3A_32, %add3A_33 : i32
      %lt3A = arith.constant 40 : i32
      %lt3A_35 = arith.cmpi slt, %add3A_34, %lt3A : i32
      %convert_element_type3A = arith.extui %lt3A_35 : i1 to i32
      %cond3A = arith.constant 0 : i32
      %cond3A_36 = arith.cmpi ne, %convert_element_type3A, %cond3A : i32
      scf.if %cond3A_36 {
        %add3A_57 = arith.constant 1 : i32
        %add3A_58 = arith.addi %add3A_32, %add3A_57 : i32
        %dma_start3A_59 = arith.constant 0 : i32
        %dma_start3A_60 = tpu.memref_slice %arg7[%add3A_58, %dma_start3A_59] : memref<40x128xi32, #tpu.memory_space<vmem>> -> memref<1x128xi32, #tpu.memory_space<vmem>>
        %dma_start3A_61 = tpu.memref_squeeze %dma_start3A_60 : memref<1x128xi32, #tpu.memory_space<vmem>> -> memref<128xi32, #tpu.memory_space<vmem>>
        %dma_start3A_62 = arith.constant 0 : i32
        %dma_start3A_63 = arith.constant 0 : i32
        %dma_start3A_64 = tpu.memref_slice %arg2[%dma_start3A_62, %dma_start3A_63] : memref<10240x128xf32, #tpu.memory_space<hbm>> -> memref<10240x128xf32, #tpu.memory_space<hbm>>
        tpu.enqueue_indirect_dma source(%dma_start3A_64 : memref<10240x128xf32, #tpu.memory_space<hbm>>) target(%arg10 : memref<128x128xf32, #tpu.memory_space<vmem>>) offsets(%dma_start3A_61 : memref<128xi32, #tpu.memory_space<vmem>>) semaphore(%arg13 : memref<!tpu.dma_semaphore, #tpu.memory_space<semaphore_mem>>)
      } else {
      }
      %dma_wait3A = arith.constant 0 : i32
      %dma_wait3A_37 = tpu.memref_slice %arg7[%add3A_32, %dma_wait3A] : memref<40x128xi32, #tpu.memory_space<vmem>> -> memref<1x128xi32, #tpu.memory_space<vmem>>
      %dma_wait3A_38 = tpu.memref_squeeze %dma_wait3A_37 : memref<1x128xi32, #tpu.memory_space<vmem>> -> memref<128xi32, #tpu.memory_space<vmem>>
      %dma_wait3A_39 = arith.constant 0 : i32
      %dma_wait3A_40 = arith.constant 0 : i32
      %dma_wait3A_41 = tpu.memref_slice %arg2[%dma_wait3A_39, %dma_wait3A_40] : memref<10240x128xf32, #tpu.memory_space<hbm>> -> memref<10240x128xf32, #tpu.memory_space<hbm>>
      tpu.wait_indirect_dma semaphore(%arg12 : memref<!tpu.dma_semaphore, #tpu.memory_space<semaphore_mem>>) src(%dma_wait3A_41 : memref<10240x128xf32, #tpu.memory_space<hbm>>) dst(%arg9 : memref<128x128xf32, #tpu.memory_space<vmem>>)
      "tpu.region"() ({
        %run_scoped3A = tpu.sem_alloc : memref<!tpu.dma_semaphore, #tpu.memory_space<semaphore_mem>>
        %dma_start3A_57 = arith.constant 0 : i32
        %dma_start3A_58 = tpu.memref_slice %arg8[%add3A_32, %dma_start3A_57] : memref<40x128xi32, #tpu.memory_space<vmem>> -> memref<1x128xi32, #tpu.memory_space<vmem>>
        %dma_start3A_59 = tpu.memref_squeeze %dma_start3A_58 : memref<1x128xi32, #tpu.memory_space<vmem>> -> memref<128xi32, #tpu.memory_space<vmem>>
        %dma_start3A_60 = arith.constant 0 : i32
        %dma_start3A_61 = arith.constant 0 : i32
        %dma_start3A_62 = tpu.memref_slice %arg11[%dma_start3A_60, %dma_start3A_61] : memref<10240x128xf32, #tpu.memory_space<vmem_shared>> -> memref<10240x128xf32, #tpu.memory_space<vmem_shared>>
        tpu.enqueue_indirect_dma source(%arg9 : memref<128x128xf32, #tpu.memory_space<vmem>>) target(%dma_start3A_62 : memref<10240x128xf32, #tpu.memory_space<vmem_shared>>) offsets(%dma_start3A_59 : memref<128xi32, #tpu.memory_space<vmem>>) semaphore(%run_scoped3A : memref<!tpu.dma_semaphore, #tpu.memory_space<semaphore_mem>>) {add = true}
        %dma_wait3A_63 = arith.constant 0 : i32
        %dma_wait3A_64 = tpu.memref_slice %arg8[%add3A_32, %dma_wait3A_63] : memref<40x128xi32, #tpu.memory_space<vmem>> -> memref<1x128xi32, #tpu.memory_space<vmem>>
        %dma_wait3A_65 = tpu.memref_squeeze %dma_wait3A_64 : memref<1x128xi32, #tpu.memory_space<vmem>> -> memref<128xi32, #tpu.memory_space<vmem>>
        %dma_wait3A_66 = arith.constant 0 : i32
        %dma_wait3A_67 = arith.constant 0 : i32
        %dma_wait3A_68 = tpu.memref_slice %arg11[%dma_wait3A_66, %dma_wait3A_67] : memref<10240x128xf32, #tpu.memory_space<vmem_shared>> -> memref<10240x128xf32, #tpu.memory_space<vmem_shared>>
        tpu.wait_indirect_dma semaphore(%run_scoped3A : memref<!tpu.dma_semaphore, #tpu.memory_space<semaphore_mem>>) src(%arg9 : memref<128x128xf32, #tpu.memory_space<vmem>>) dst(%dma_wait3A_68 : memref<10240x128xf32, #tpu.memory_space<vmem_shared>>)
        tpu.yield
      }) : () -> ()
      %add3A_42 = arith.constant 1 : i32
      %add3A_43 = arith.addi %add3A_30, %add3A_42 : i32
      %add3A_44 = arith.constant 1 : i32
      %add3A_45 = arith.addi %add3A_43, %add3A_44 : i32
      %lt3A_46 = arith.constant 40 : i32
      %lt3A_47 = arith.cmpi slt, %add3A_45, %lt3A_46 : i32
      %convert_element_type3A_48 = arith.extui %lt3A_47 : i1 to i32
      %cond3A_49 = arith.constant 0 : i32
      %cond3A_50 = arith.cmpi ne, %convert_element_type3A_48, %cond3A_49 : i32
      scf.if %cond3A_50 {
        %add3A_57 = arith.constant 1 : i32
        %add3A_58 = arith.addi %add3A_43, %add3A_57 : i32
        %dma_start3A_59 = arith.constant 0 : i32
        %dma_start3A_60 = tpu.memref_slice %arg7[%add3A_58, %dma_start3A_59] : memref<40x128xi32, #tpu.memory_space<vmem>> -> memref<1x128xi32, #tpu.memory_space<vmem>>
        %dma_start3A_61 = tpu.memref_squeeze %dma_start3A_60 : memref<1x128xi32, #tpu.memory_space<vmem>> -> memref<128xi32, #tpu.memory_space<vmem>>
        %dma_start3A_62 = arith.constant 0 : i32
        %dma_start3A_63 = arith.constant 0 : i32
        %dma_start3A_64 = tpu.memref_slice %arg2[%dma_start3A_62, %dma_start3A_63] : memref<10240x128xf32, #tpu.memory_space<hbm>> -> memref<10240x128xf32, #tpu.memory_space<hbm>>
        tpu.enqueue_indirect_dma source(%dma_start3A_64 : memref<10240x128xf32, #tpu.memory_space<hbm>>) target(%arg9 : memref<128x128xf32, #tpu.memory_space<vmem>>) offsets(%dma_start3A_61 : memref<128xi32, #tpu.memory_space<vmem>>) semaphore(%arg12 : memref<!tpu.dma_semaphore, #tpu.memory_space<semaphore_mem>>)
      } else {
      }
      %dma_wait3A_51 = arith.constant 0 : i32
      %dma_wait3A_52 = tpu.memref_slice %arg7[%add3A_43, %dma_wait3A_51] : memref<40x128xi32, #tpu.memory_space<vmem>> -> memref<1x128xi32, #tpu.memory_space<vmem>>
      %dma_wait3A_53 = tpu.memref_squeeze %dma_wait3A_52 : memref<1x128xi32, #tpu.memory_space<vmem>> -> memref<128xi32, #tpu.memory_space<vmem>>
      %dma_wait3A_54 = arith.constant 0 : i32
      %dma_wait3A_55 = arith.constant 0 : i32
      %dma_wait3A_56 = tpu.memref_slice %arg2[%dma_wait3A_54, %dma_wait3A_55] : memref<10240x128xf32, #tpu.memory_space<hbm>> -> memref<10240x128xf32, #tpu.memory_space<hbm>>
      tpu.wait_indirect_dma semaphore(%arg13 : memref<!tpu.dma_semaphore, #tpu.memory_space<semaphore_mem>>) src(%dma_wait3A_56 : memref<10240x128xf32, #tpu.memory_space<hbm>>) dst(%arg10 : memref<128x128xf32, #tpu.memory_space<vmem>>)
      "tpu.region"() ({
        %run_scoped3A = tpu.sem_alloc : memref<!tpu.dma_semaphore, #tpu.memory_space<semaphore_mem>>
        %dma_start3A_57 = arith.constant 0 : i32
        %dma_start3A_58 = tpu.memref_slice %arg8[%add3A_43, %dma_start3A_57] : memref<40x128xi32, #tpu.memory_space<vmem>> -> memref<1x128xi32, #tpu.memory_space<vmem>>
        %dma_start3A_59 = tpu.memref_squeeze %dma_start3A_58 : memref<1x128xi32, #tpu.memory_space<vmem>> -> memref<128xi32, #tpu.memory_space<vmem>>
        %dma_start3A_60 = arith.constant 0 : i32
        %dma_start3A_61 = arith.constant 0 : i32
        %dma_start3A_62 = tpu.memref_slice %arg11[%dma_start3A_60, %dma_start3A_61] : memref<10240x128xf32, #tpu.memory_space<vmem_shared>> -> memref<10240x128xf32, #tpu.memory_space<vmem_shared>>
        tpu.enqueue_indirect_dma source(%arg10 : memref<128x128xf32, #tpu.memory_space<vmem>>) target(%dma_start3A_62 : memref<10240x128xf32, #tpu.memory_space<vmem_shared>>) offsets(%dma_start3A_59 : memref<128xi32, #tpu.memory_space<vmem>>) semaphore(%run_scoped3A : memref<!tpu.dma_semaphore, #tpu.memory_space<semaphore_mem>>) {add = true}
        %dma_wait3A_63 = arith.constant 0 : i32
        %dma_wait3A_64 = tpu.memref_slice %arg8[%add3A_43, %dma_wait3A_63] : memref<40x128xi32, #tpu.memory_space<vmem>> -> memref<1x128xi32, #tpu.memory_space<vmem>>
        %dma_wait3A_65 = tpu.memref_squeeze %dma_wait3A_64 : memref<1x128xi32, #tpu.memory_space<vmem>> -> memref<128xi32, #tpu.memory_space<vmem>>
        %dma_wait3A_66 = arith.constant 0 : i32
        %dma_wait3A_67 = arith.constant 0 : i32
        %dma_wait3A_68 = tpu.memref_slice %arg11[%dma_wait3A_66, %dma_wait3A_67] : memref<10240x128xf32, #tpu.memory_space<vmem_shared>> -> memref<10240x128xf32, #tpu.memory_space<vmem_shared>>
        tpu.wait_indirect_dma semaphore(%run_scoped3A : memref<!tpu.dma_semaphore, #tpu.memory_space<semaphore_mem>>) src(%arg10 : memref<128x128xf32, #tpu.memory_space<vmem>>) dst(%dma_wait3A_68 : memref<10240x128xf32, #tpu.memory_space<vmem_shared>>)
        tpu.yield
      }) : () -> ()
    }
    %scan3A_24 = arith.constant 20 : i32
    %barrier3A_25 = arith.constant 0 : index
    tpu.barrier barrier_id(%barrier3A_25)
    "tpu.region"() ({
      %run_scoped3A = tpu.sem_alloc : memref<!tpu.dma_semaphore, #tpu.memory_space<semaphore_mem>>
      %dma_start3A_26 = arith.constant 0 : i32
      %dma_start3A_27 = tpu.memref_slice %arg6[%arg0, %mul3A_2, %dma_start3A_26] : memref<2x10240x128xf32, #tpu.memory_space<hbm>> -> memref<1x640x128xf32, #tpu.memory_space<hbm>>
      %dma_start3A_28 = tpu.memref_squeeze %dma_start3A_27 : memref<1x640x128xf32, #tpu.memory_space<hbm>> -> memref<640x128xf32, #tpu.memory_space<hbm>>
      %dma_start3A_29 = arith.constant 0 : i32
      %dma_start3A_30 = tpu.memref_slice %arg11[%mul3A_2, %dma_start3A_29] : memref<10240x128xf32, #tpu.memory_space<vmem_shared>> -> memref<640x128xf32, #tpu.memory_space<vmem_shared>>
      tpu.enqueue_dma source(%dma_start3A_30 : memref<640x128xf32, #tpu.memory_space<vmem_shared>>) target(%dma_start3A_28 : memref<640x128xf32, #tpu.memory_space<hbm>>) target_semaphore(%run_scoped3A : memref<!tpu.dma_semaphore, #tpu.memory_space<semaphore_mem>>)
      %dma_wait3A = arith.constant 0 : i32
      %dma_wait3A_31 = tpu.memref_slice %arg6[%arg0, %mul3A_2, %dma_wait3A] : memref<2x10240x128xf32, #tpu.memory_space<hbm>> -> memref<1x640x128xf32, #tpu.memory_space<hbm>>
      %dma_wait3A_32 = tpu.memref_squeeze %dma_wait3A_31 : memref<1x640x128xf32, #tpu.memory_space<hbm>> -> memref<640x128xf32, #tpu.memory_space<hbm>>
      %dma_wait3A_33 = arith.constant 0 : i32
      %dma_wait3A_34 = tpu.memref_slice %arg11[%mul3A_2, %dma_wait3A_33] : memref<10240x128xf32, #tpu.memory_space<vmem_shared>> -> memref<640x128xf32, #tpu.memory_space<vmem_shared>>
      tpu.wait_dma2 semaphore(%run_scoped3A : memref<!tpu.dma_semaphore, #tpu.memory_space<semaphore_mem>>) src(%dma_wait3A_34 : memref<640x128xf32, #tpu.memory_space<vmem_shared>>) dst(%dma_wait3A_32 : memref<640x128xf32, #tpu.memory_space<hbm>>)
      tpu.yield
    }) : () -> ()
    return
  }
}

#map = affine_map<(d0, d1) -> (0, 0)>
#map1 = affine_map<(d0, d1) -> (0, 0, 0)>
module attributes {stable_mosaic.version = 14 : i64} {
  func.func @_sc_aggregate_body(%arg0: i32, %arg1: i32, %arg2: memref<10240x128xf32, #tpu.memory_space<hbm>>, %arg3: memref<32x80x128xi32, #tpu.memory_space<hbm>>, %arg4: memref<32x80x128xi32, #tpu.memory_space<hbm>>, %arg5: memref<640x128xf32, #tpu.memory_space<hbm>>, %arg6: memref<2x10240x128xf32, #tpu.memory_space<hbm>>, %arg7: memref<40x128xi32, #tpu.memory_space<vmem>>, %arg8: memref<40x128xi32, #tpu.memory_space<vmem>>, %arg9: memref<128x128xf32, #tpu.memory_space<vmem>>, %arg10: memref<128x128xf32, #tpu.memory_space<vmem>>, %arg11: memref<10240x128xf32, #tpu.memory_space<vmem_shared>>, %arg12: memref<!tpu.dma_semaphore, #tpu.memory_space<semaphore_mem>>, %arg13: memref<!tpu.dma_semaphore, #tpu.memory_space<semaphore_mem>>) attributes {dimension_semantics = [#tpu.dimension_semantics<core_parallel>, #tpu.dimension_semantics<subcore_parallel>], iteration_bounds = array<i64: 2, 16>, scalar_prefetch = 0 : i64, scratch_operands = 7 : i64, tpu.core_type = #tpu.core_type<sc_vector_subcore>, window_params = [{transform_indices = #map}, {transform_indices = #map1}, {transform_indices = #map1}, {transform_indices = #map}, {transform_indices = #map1}]} {
    %mul3A = arith.constant 16 : i32
    %mul3A_0 = arith.muli %arg0, %mul3A : i32
    %add3A = arith.addi %mul3A_0, %arg1 : i32
    %mul3A_1 = arith.constant 640 : i32
    %mul3A_2 = arith.muli %arg1, %mul3A_1 : i32
    "tpu.region"() ({
      %run_scoped3A = tpu.sem_alloc : memref<!tpu.dma_semaphore, #tpu.memory_space<semaphore_mem>>
      %dma_start3A_26 = arith.constant 0 : i32
      %dma_start3A_27 = tpu.memref_slice %arg11[%mul3A_2, %dma_start3A_26] : memref<10240x128xf32, #tpu.memory_space<vmem_shared>> -> memref<640x128xf32, #tpu.memory_space<vmem_shared>>
      tpu.enqueue_dma source(%arg5 : memref<640x128xf32, #tpu.memory_space<hbm>>) target(%dma_start3A_27 : memref<640x128xf32, #tpu.memory_space<vmem_shared>>) target_semaphore(%run_scoped3A : memref<!tpu.dma_semaphore, #tpu.memory_space<semaphore_mem>>)
      %dma_wait3A = arith.constant 0 : i32
      %dma_wait3A_28 = tpu.memref_slice %arg11[%mul3A_2, %dma_wait3A] : memref<10240x128xf32, #tpu.memory_space<vmem_shared>> -> memref<640x128xf32, #tpu.memory_space<vmem_shared>>
      tpu.wait_dma2 semaphore(%run_scoped3A : memref<!tpu.dma_semaphore, #tpu.memory_space<semaphore_mem>>) src(%arg5 : memref<640x128xf32, #tpu.memory_space<hbm>>) dst(%dma_wait3A_28 : memref<640x128xf32, #tpu.memory_space<vmem_shared>>)
      tpu.yield
    }) : () -> ()
    %barrier3A = arith.constant 0 : index
    tpu.barrier barrier_id(%barrier3A)
    "tpu.region"() ({
      %run_scoped3A = tpu.sem_alloc : memref<!tpu.dma_semaphore, #tpu.memory_space<semaphore_mem>>
      %dma_start3A_26 = arith.constant 0 : i32
      %dma_start3A_27 = arith.constant 0 : i32
      %dma_start3A_28 = tpu.memref_slice %arg3[%add3A, %dma_start3A_26, %dma_start3A_27] : memref<32x80x128xi32, #tpu.memory_space<hbm>> -> memref<1x40x128xi32, #tpu.memory_space<hbm>>
      %dma_start3A_29 = tpu.memref_squeeze %dma_start3A_28 : memref<1x40x128xi32, #tpu.memory_space<hbm>> -> memref<40x128xi32, #tpu.memory_space<hbm>>
      %dma_start3A_30 = arith.constant 0 : i32
      %dma_start3A_31 = arith.constant 0 : i32
      %dma_start3A_32 = tpu.memref_slice %arg3[%add3A, %dma_start3A_30, %dma_start3A_31] : memref<32x80x128xi32, #tpu.memory_space<hbm>> -> memref<1x40x128xi32, #tpu.memory_space<hbm>>
      %dma_start3A_33 = tpu.memref_squeeze %dma_start3A_32 : memref<1x40x128xi32, #tpu.memory_space<hbm>> -> memref<40x128xi32, #tpu.memory_space<hbm>>
      tpu.enqueue_dma source(%dma_start3A_33 : memref<40x128xi32, #tpu.memory_space<hbm>>) target(%arg7 : memref<40x128xi32, #tpu.memory_space<vmem>>) target_semaphore(%run_scoped3A : memref<!tpu.dma_semaphore, #tpu.memory_space<semaphore_mem>>)
      %dma_wait3A = arith.constant 0 : i32
      %dma_wait3A_34 = arith.constant 0 : i32
      %dma_wait3A_35 = tpu.memref_slice %arg3[%add3A, %dma_wait3A, %dma_wait3A_34] : memref<32x80x128xi32, #tpu.memory_space<hbm>> -> memref<1x40x128xi32, #tpu.memory_space<hbm>>
      %dma_wait3A_36 = tpu.memref_squeeze %dma_wait3A_35 : memref<1x40x128xi32, #tpu.memory_space<hbm>> -> memref<40x128xi32, #tpu.memory_space<hbm>>
      %dma_wait3A_37 = arith.constant 0 : i32
      %dma_wait3A_38 = arith.constant 0 : i32
      %dma_wait3A_39 = tpu.memref_slice %arg3[%add3A, %dma_wait3A_37, %dma_wait3A_38] : memref<32x80x128xi32, #tpu.memory_space<hbm>> -> memref<1x40x128xi32, #tpu.memory_space<hbm>>
      %dma_wait3A_40 = tpu.memref_squeeze %dma_wait3A_39 : memref<1x40x128xi32, #tpu.memory_space<hbm>> -> memref<40x128xi32, #tpu.memory_space<hbm>>
      tpu.wait_dma2 semaphore(%run_scoped3A : memref<!tpu.dma_semaphore, #tpu.memory_space<semaphore_mem>>) src(%dma_wait3A_40 : memref<40x128xi32, #tpu.memory_space<hbm>>) dst(%arg7 : memref<40x128xi32, #tpu.memory_space<vmem>>)
      tpu.yield
    }) : () -> ()
    "tpu.region"() ({
      %run_scoped3A = tpu.sem_alloc : memref<!tpu.dma_semaphore, #tpu.memory_space<semaphore_mem>>
      %dma_start3A_26 = arith.constant 0 : i32
      %dma_start3A_27 = arith.constant 0 : i32
      %dma_start3A_28 = tpu.memref_slice %arg4[%add3A, %dma_start3A_26, %dma_start3A_27] : memref<32x80x128xi32, #tpu.memory_space<hbm>> -> memref<1x40x128xi32, #tpu.memory_space<hbm>>
      %dma_start3A_29 = tpu.memref_squeeze %dma_start3A_28 : memref<1x40x128xi32, #tpu.memory_space<hbm>> -> memref<40x128xi32, #tpu.memory_space<hbm>>
      %dma_start3A_30 = arith.constant 0 : i32
      %dma_start3A_31 = arith.constant 0 : i32
      %dma_start3A_32 = tpu.memref_slice %arg4[%add3A, %dma_start3A_30, %dma_start3A_31] : memref<32x80x128xi32, #tpu.memory_space<hbm>> -> memref<1x40x128xi32, #tpu.memory_space<hbm>>
      %dma_start3A_33 = tpu.memref_squeeze %dma_start3A_32 : memref<1x40x128xi32, #tpu.memory_space<hbm>> -> memref<40x128xi32, #tpu.memory_space<hbm>>
      tpu.enqueue_dma source(%dma_start3A_33 : memref<40x128xi32, #tpu.memory_space<hbm>>) target(%arg8 : memref<40x128xi32, #tpu.memory_space<vmem>>) target_semaphore(%run_scoped3A : memref<!tpu.dma_semaphore, #tpu.memory_space<semaphore_mem>>)
      %dma_wait3A = arith.constant 0 : i32
      %dma_wait3A_34 = arith.constant 0 : i32
      %dma_wait3A_35 = tpu.memref_slice %arg4[%add3A, %dma_wait3A, %dma_wait3A_34] : memref<32x80x128xi32, #tpu.memory_space<hbm>> -> memref<1x40x128xi32, #tpu.memory_space<hbm>>
      %dma_wait3A_36 = tpu.memref_squeeze %dma_wait3A_35 : memref<1x40x128xi32, #tpu.memory_space<hbm>> -> memref<40x128xi32, #tpu.memory_space<hbm>>
      %dma_wait3A_37 = arith.constant 0 : i32
      %dma_wait3A_38 = arith.constant 0 : i32
      %dma_wait3A_39 = tpu.memref_slice %arg4[%add3A, %dma_wait3A_37, %dma_wait3A_38] : memref<32x80x128xi32, #tpu.memory_space<hbm>> -> memref<1x40x128xi32, #tpu.memory_space<hbm>>
      %dma_wait3A_40 = tpu.memref_squeeze %dma_wait3A_39 : memref<1x40x128xi32, #tpu.memory_space<hbm>> -> memref<40x128xi32, #tpu.memory_space<hbm>>
      tpu.wait_dma2 semaphore(%run_scoped3A : memref<!tpu.dma_semaphore, #tpu.memory_space<semaphore_mem>>) src(%dma_wait3A_40 : memref<40x128xi32, #tpu.memory_space<hbm>>) dst(%arg8 : memref<40x128xi32, #tpu.memory_space<vmem>>)
      tpu.yield
    }) : () -> ()
    %dma_start3A = arith.constant 0 : i32
    %dma_start3A_3 = arith.constant 0 : i32
    %dma_start3A_4 = tpu.memref_slice %arg7[%dma_start3A, %dma_start3A_3] : memref<40x128xi32, #tpu.memory_space<vmem>> -> memref<1x128xi32, #tpu.memory_space<vmem>>
    %dma_start3A_5 = tpu.memref_squeeze %dma_start3A_4 : memref<1x128xi32, #tpu.memory_space<vmem>> -> memref<128xi32, #tpu.memory_space<vmem>>
    %dma_start3A_6 = arith.constant 0 : i32
    %dma_start3A_7 = arith.constant 0 : i32
    %dma_start3A_8 = tpu.memref_slice %arg2[%dma_start3A_6, %dma_start3A_7] : memref<10240x128xf32, #tpu.memory_space<hbm>> -> memref<10240x128xf32, #tpu.memory_space<hbm>>
    tpu.enqueue_indirect_dma source(%dma_start3A_8 : memref<10240x128xf32, #tpu.memory_space<hbm>>) target(%arg9 : memref<128x128xf32, #tpu.memory_space<vmem>>) offsets(%dma_start3A_5 : memref<128xi32, #tpu.memory_space<vmem>>) semaphore(%arg12 : memref<!tpu.dma_semaphore, #tpu.memory_space<semaphore_mem>>)
    %scan3A = arith.constant 0 : i32
    %scan3A_9 = arith.constant 20 : i32
    %scan3A_10 = arith.addi %scan3A, %scan3A_9 : i32
    %scan3A_11 = arith.constant 1 : i32
    scf.for %scan3A_26 = %scan3A to %scan3A_10 step %scan3A_11  : i32 {
      %mul3A_27 = arith.constant 2 : i32
      %mul3A_28 = arith.muli %scan3A_26, %mul3A_27 : i32
      %add3A_29 = arith.constant 0 : i32
      %add3A_30 = arith.addi %add3A_29, %mul3A_28 : i32
      %add3A_31 = arith.constant 0 : i32
      %add3A_32 = arith.addi %add3A_30, %add3A_31 : i32
      %add3A_33 = arith.constant 1 : i32
      %add3A_34 = arith.addi %add3A_32, %add3A_33 : i32
      %lt3A = arith.constant 40 : i32
      %lt3A_35 = arith.cmpi slt, %add3A_34, %lt3A : i32
      %convert_element_type3A = arith.extui %lt3A_35 : i1 to i32
      %cond3A = arith.constant 0 : i32
      %cond3A_36 = arith.cmpi ne, %convert_element_type3A, %cond3A : i32
      scf.if %cond3A_36 {
        %add3A_57 = arith.constant 1 : i32
        %add3A_58 = arith.addi %add3A_32, %add3A_57 : i32
        %dma_start3A_59 = arith.constant 0 : i32
        %dma_start3A_60 = tpu.memref_slice %arg7[%add3A_58, %dma_start3A_59] : memref<40x128xi32, #tpu.memory_space<vmem>> -> memref<1x128xi32, #tpu.memory_space<vmem>>
        %dma_start3A_61 = tpu.memref_squeeze %dma_start3A_60 : memref<1x128xi32, #tpu.memory_space<vmem>> -> memref<128xi32, #tpu.memory_space<vmem>>
        %dma_start3A_62 = arith.constant 0 : i32
        %dma_start3A_63 = arith.constant 0 : i32
        %dma_start3A_64 = tpu.memref_slice %arg2[%dma_start3A_62, %dma_start3A_63] : memref<10240x128xf32, #tpu.memory_space<hbm>> -> memref<10240x128xf32, #tpu.memory_space<hbm>>
        tpu.enqueue_indirect_dma source(%dma_start3A_64 : memref<10240x128xf32, #tpu.memory_space<hbm>>) target(%arg10 : memref<128x128xf32, #tpu.memory_space<vmem>>) offsets(%dma_start3A_61 : memref<128xi32, #tpu.memory_space<vmem>>) semaphore(%arg13 : memref<!tpu.dma_semaphore, #tpu.memory_space<semaphore_mem>>)
      } else {
      }
      %dma_wait3A = arith.constant 0 : i32
      %dma_wait3A_37 = tpu.memref_slice %arg7[%add3A_32, %dma_wait3A] : memref<40x128xi32, #tpu.memory_space<vmem>> -> memref<1x128xi32, #tpu.memory_space<vmem>>
      %dma_wait3A_38 = tpu.memref_squeeze %dma_wait3A_37 : memref<1x128xi32, #tpu.memory_space<vmem>> -> memref<128xi32, #tpu.memory_space<vmem>>
      %dma_wait3A_39 = arith.constant 0 : i32
      %dma_wait3A_40 = arith.constant 0 : i32
      %dma_wait3A_41 = tpu.memref_slice %arg2[%dma_wait3A_39, %dma_wait3A_40] : memref<10240x128xf32, #tpu.memory_space<hbm>> -> memref<10240x128xf32, #tpu.memory_space<hbm>>
      tpu.wait_indirect_dma semaphore(%arg12 : memref<!tpu.dma_semaphore, #tpu.memory_space<semaphore_mem>>) src(%dma_wait3A_41 : memref<10240x128xf32, #tpu.memory_space<hbm>>) dst(%arg9 : memref<128x128xf32, #tpu.memory_space<vmem>>)
      "tpu.region"() ({
        %run_scoped3A = tpu.sem_alloc : memref<!tpu.dma_semaphore, #tpu.memory_space<semaphore_mem>>
        %dma_start3A_57 = arith.constant 0 : i32
        %dma_start3A_58 = tpu.memref_slice %arg8[%add3A_32, %dma_start3A_57] : memref<40x128xi32, #tpu.memory_space<vmem>> -> memref<1x128xi32, #tpu.memory_space<vmem>>
        %dma_start3A_59 = tpu.memref_squeeze %dma_start3A_58 : memref<1x128xi32, #tpu.memory_space<vmem>> -> memref<128xi32, #tpu.memory_space<vmem>>
        %dma_start3A_60 = arith.constant 0 : i32
        %dma_start3A_61 = arith.constant 0 : i32
        %dma_start3A_62 = tpu.memref_slice %arg11[%dma_start3A_60, %dma_start3A_61] : memref<10240x128xf32, #tpu.memory_space<vmem_shared>> -> memref<10240x128xf32, #tpu.memory_space<vmem_shared>>
        tpu.enqueue_indirect_dma source(%arg9 : memref<128x128xf32, #tpu.memory_space<vmem>>) target(%dma_start3A_62 : memref<10240x128xf32, #tpu.memory_space<vmem_shared>>) offsets(%dma_start3A_59 : memref<128xi32, #tpu.memory_space<vmem>>) semaphore(%run_scoped3A : memref<!tpu.dma_semaphore, #tpu.memory_space<semaphore_mem>>) {add = true}
        %dma_wait3A_63 = arith.constant 0 : i32
        %dma_wait3A_64 = tpu.memref_slice %arg8[%add3A_32, %dma_wait3A_63] : memref<40x128xi32, #tpu.memory_space<vmem>> -> memref<1x128xi32, #tpu.memory_space<vmem>>
        %dma_wait3A_65 = tpu.memref_squeeze %dma_wait3A_64 : memref<1x128xi32, #tpu.memory_space<vmem>> -> memref<128xi32, #tpu.memory_space<vmem>>
        %dma_wait3A_66 = arith.constant 0 : i32
        %dma_wait3A_67 = arith.constant 0 : i32
        %dma_wait3A_68 = tpu.memref_slice %arg11[%dma_wait3A_66, %dma_wait3A_67] : memref<10240x128xf32, #tpu.memory_space<vmem_shared>> -> memref<10240x128xf32, #tpu.memory_space<vmem_shared>>
        tpu.wait_indirect_dma semaphore(%run_scoped3A : memref<!tpu.dma_semaphore, #tpu.memory_space<semaphore_mem>>) src(%arg9 : memref<128x128xf32, #tpu.memory_space<vmem>>) dst(%dma_wait3A_68 : memref<10240x128xf32, #tpu.memory_space<vmem_shared>>)
        tpu.yield
      }) : () -> ()
      %add3A_42 = arith.constant 1 : i32
      %add3A_43 = arith.addi %add3A_30, %add3A_42 : i32
      %add3A_44 = arith.constant 1 : i32
      %add3A_45 = arith.addi %add3A_43, %add3A_44 : i32
      %lt3A_46 = arith.constant 40 : i32
      %lt3A_47 = arith.cmpi slt, %add3A_45, %lt3A_46 : i32
      %convert_element_type3A_48 = arith.extui %lt3A_47 : i1 to i32
      %cond3A_49 = arith.constant 0 : i32
      %cond3A_50 = arith.cmpi ne, %convert_element_type3A_48, %cond3A_49 : i32
      scf.if %cond3A_50 {
        %add3A_57 = arith.constant 1 : i32
        %add3A_58 = arith.addi %add3A_43, %add3A_57 : i32
        %dma_start3A_59 = arith.constant 0 : i32
        %dma_start3A_60 = tpu.memref_slice %arg7[%add3A_58, %dma_start3A_59] : memref<40x128xi32, #tpu.memory_space<vmem>> -> memref<1x128xi32, #tpu.memory_space<vmem>>
        %dma_start3A_61 = tpu.memref_squeeze %dma_start3A_60 : memref<1x128xi32, #tpu.memory_space<vmem>> -> memref<128xi32, #tpu.memory_space<vmem>>
        %dma_start3A_62 = arith.constant 0 : i32
        %dma_start3A_63 = arith.constant 0 : i32
        %dma_start3A_64 = tpu.memref_slice %arg2[%dma_start3A_62, %dma_start3A_63] : memref<10240x128xf32, #tpu.memory_space<hbm>> -> memref<10240x128xf32, #tpu.memory_space<hbm>>
        tpu.enqueue_indirect_dma source(%dma_start3A_64 : memref<10240x128xf32, #tpu.memory_space<hbm>>) target(%arg9 : memref<128x128xf32, #tpu.memory_space<vmem>>) offsets(%dma_start3A_61 : memref<128xi32, #tpu.memory_space<vmem>>) semaphore(%arg12 : memref<!tpu.dma_semaphore, #tpu.memory_space<semaphore_mem>>)
      } else {
      }
      %dma_wait3A_51 = arith.constant 0 : i32
      %dma_wait3A_52 = tpu.memref_slice %arg7[%add3A_43, %dma_wait3A_51] : memref<40x128xi32, #tpu.memory_space<vmem>> -> memref<1x128xi32, #tpu.memory_space<vmem>>
      %dma_wait3A_53 = tpu.memref_squeeze %dma_wait3A_52 : memref<1x128xi32, #tpu.memory_space<vmem>> -> memref<128xi32, #tpu.memory_space<vmem>>
      %dma_wait3A_54 = arith.constant 0 : i32
      %dma_wait3A_55 = arith.constant 0 : i32
      %dma_wait3A_56 = tpu.memref_slice %arg2[%dma_wait3A_54, %dma_wait3A_55] : memref<10240x128xf32, #tpu.memory_space<hbm>> -> memref<10240x128xf32, #tpu.memory_space<hbm>>
      tpu.wait_indirect_dma semaphore(%arg13 : memref<!tpu.dma_semaphore, #tpu.memory_space<semaphore_mem>>) src(%dma_wait3A_56 : memref<10240x128xf32, #tpu.memory_space<hbm>>) dst(%arg10 : memref<128x128xf32, #tpu.memory_space<vmem>>)
      "tpu.region"() ({
        %run_scoped3A = tpu.sem_alloc : memref<!tpu.dma_semaphore, #tpu.memory_space<semaphore_mem>>
        %dma_start3A_57 = arith.constant 0 : i32
        %dma_start3A_58 = tpu.memref_slice %arg8[%add3A_43, %dma_start3A_57] : memref<40x128xi32, #tpu.memory_space<vmem>> -> memref<1x128xi32, #tpu.memory_space<vmem>>
        %dma_start3A_59 = tpu.memref_squeeze %dma_start3A_58 : memref<1x128xi32, #tpu.memory_space<vmem>> -> memref<128xi32, #tpu.memory_space<vmem>>
        %dma_start3A_60 = arith.constant 0 : i32
        %dma_start3A_61 = arith.constant 0 : i32
        %dma_start3A_62 = tpu.memref_slice %arg11[%dma_start3A_60, %dma_start3A_61] : memref<10240x128xf32, #tpu.memory_space<vmem_shared>> -> memref<10240x128xf32, #tpu.memory_space<vmem_shared>>
        tpu.enqueue_indirect_dma source(%arg10 : memref<128x128xf32, #tpu.memory_space<vmem>>) target(%dma_start3A_62 : memref<10240x128xf32, #tpu.memory_space<vmem_shared>>) offsets(%dma_start3A_59 : memref<128xi32, #tpu.memory_space<vmem>>) semaphore(%run_scoped3A : memref<!tpu.dma_semaphore, #tpu.memory_space<semaphore_mem>>) {add = true}
        %dma_wait3A_63 = arith.constant 0 : i32
        %dma_wait3A_64 = tpu.memref_slice %arg8[%add3A_43, %dma_wait3A_63] : memref<40x128xi32, #tpu.memory_space<vmem>> -> memref<1x128xi32, #tpu.memory_space<vmem>>
        %dma_wait3A_65 = tpu.memref_squeeze %dma_wait3A_64 : memref<1x128xi32, #tpu.memory_space<vmem>> -> memref<128xi32, #tpu.memory_space<vmem>>
        %dma_wait3A_66 = arith.constant 0 : i32
        %dma_wait3A_67 = arith.constant 0 : i32
        %dma_wait3A_68 = tpu.memref_slice %arg11[%dma_wait3A_66, %dma_wait3A_67] : memref<10240x128xf32, #tpu.memory_space<vmem_shared>> -> memref<10240x128xf32, #tpu.memory_space<vmem_shared>>
        tpu.wait_indirect_dma semaphore(%run_scoped3A : memref<!tpu.dma_semaphore, #tpu.memory_space<semaphore_mem>>) src(%arg10 : memref<128x128xf32, #tpu.memory_space<vmem>>) dst(%dma_wait3A_68 : memref<10240x128xf32, #tpu.memory_space<vmem_shared>>)
        tpu.yield
      }) : () -> ()
    }
    %scan3A_12 = arith.constant 20 : i32
    "tpu.region"() ({
      %run_scoped3A = tpu.sem_alloc : memref<!tpu.dma_semaphore, #tpu.memory_space<semaphore_mem>>
      %dma_start3A_26 = arith.constant 40 : i32
      %dma_start3A_27 = arith.constant 0 : i32
      %dma_start3A_28 = tpu.memref_slice %arg3[%add3A, %dma_start3A_26, %dma_start3A_27] : memref<32x80x128xi32, #tpu.memory_space<hbm>> -> memref<1x40x128xi32, #tpu.memory_space<hbm>>
      %dma_start3A_29 = tpu.memref_squeeze %dma_start3A_28 : memref<1x40x128xi32, #tpu.memory_space<hbm>> -> memref<40x128xi32, #tpu.memory_space<hbm>>
      %dma_start3A_30 = arith.constant 40 : i32
      %dma_start3A_31 = arith.constant 0 : i32
      %dma_start3A_32 = tpu.memref_slice %arg3[%add3A, %dma_start3A_30, %dma_start3A_31] : memref<32x80x128xi32, #tpu.memory_space<hbm>> -> memref<1x40x128xi32, #tpu.memory_space<hbm>>
      %dma_start3A_33 = tpu.memref_squeeze %dma_start3A_32 : memref<1x40x128xi32, #tpu.memory_space<hbm>> -> memref<40x128xi32, #tpu.memory_space<hbm>>
      tpu.enqueue_dma source(%dma_start3A_33 : memref<40x128xi32, #tpu.memory_space<hbm>>) target(%arg7 : memref<40x128xi32, #tpu.memory_space<vmem>>) target_semaphore(%run_scoped3A : memref<!tpu.dma_semaphore, #tpu.memory_space<semaphore_mem>>)
      %dma_wait3A = arith.constant 40 : i32
      %dma_wait3A_34 = arith.constant 0 : i32
      %dma_wait3A_35 = tpu.memref_slice %arg3[%add3A, %dma_wait3A, %dma_wait3A_34] : memref<32x80x128xi32, #tpu.memory_space<hbm>> -> memref<1x40x128xi32, #tpu.memory_space<hbm>>
      %dma_wait3A_36 = tpu.memref_squeeze %dma_wait3A_35 : memref<1x40x128xi32, #tpu.memory_space<hbm>> -> memref<40x128xi32, #tpu.memory_space<hbm>>
      %dma_wait3A_37 = arith.constant 40 : i32
      %dma_wait3A_38 = arith.constant 0 : i32
      %dma_wait3A_39 = tpu.memref_slice %arg3[%add3A, %dma_wait3A_37, %dma_wait3A_38] : memref<32x80x128xi32, #tpu.memory_space<hbm>> -> memref<1x40x128xi32, #tpu.memory_space<hbm>>
      %dma_wait3A_40 = tpu.memref_squeeze %dma_wait3A_39 : memref<1x40x128xi32, #tpu.memory_space<hbm>> -> memref<40x128xi32, #tpu.memory_space<hbm>>
      tpu.wait_dma2 semaphore(%run_scoped3A : memref<!tpu.dma_semaphore, #tpu.memory_space<semaphore_mem>>) src(%dma_wait3A_40 : memref<40x128xi32, #tpu.memory_space<hbm>>) dst(%arg7 : memref<40x128xi32, #tpu.memory_space<vmem>>)
      tpu.yield
    }) : () -> ()
    "tpu.region"() ({
      %run_scoped3A = tpu.sem_alloc : memref<!tpu.dma_semaphore, #tpu.memory_space<semaphore_mem>>
      %dma_start3A_26 = arith.constant 40 : i32
      %dma_start3A_27 = arith.constant 0 : i32
      %dma_start3A_28 = tpu.memref_slice %arg4[%add3A, %dma_start3A_26, %dma_start3A_27] : memref<32x80x128xi32, #tpu.memory_space<hbm>> -> memref<1x40x128xi32, #tpu.memory_space<hbm>>
      %dma_start3A_29 = tpu.memref_squeeze %dma_start3A_28 : memref<1x40x128xi32, #tpu.memory_space<hbm>> -> memref<40x128xi32, #tpu.memory_space<hbm>>
      %dma_start3A_30 = arith.constant 40 : i32
      %dma_start3A_31 = arith.constant 0 : i32
      %dma_start3A_32 = tpu.memref_slice %arg4[%add3A, %dma_start3A_30, %dma_start3A_31] : memref<32x80x128xi32, #tpu.memory_space<hbm>> -> memref<1x40x128xi32, #tpu.memory_space<hbm>>
      %dma_start3A_33 = tpu.memref_squeeze %dma_start3A_32 : memref<1x40x128xi32, #tpu.memory_space<hbm>> -> memref<40x128xi32, #tpu.memory_space<hbm>>
      tpu.enqueue_dma source(%dma_start3A_33 : memref<40x128xi32, #tpu.memory_space<hbm>>) target(%arg8 : memref<40x128xi32, #tpu.memory_space<vmem>>) target_semaphore(%run_scoped3A : memref<!tpu.dma_semaphore, #tpu.memory_space<semaphore_mem>>)
      %dma_wait3A = arith.constant 40 : i32
      %dma_wait3A_34 = arith.constant 0 : i32
      %dma_wait3A_35 = tpu.memref_slice %arg4[%add3A, %dma_wait3A, %dma_wait3A_34] : memref<32x80x128xi32, #tpu.memory_space<hbm>> -> memref<1x40x128xi32, #tpu.memory_space<hbm>>
      %dma_wait3A_36 = tpu.memref_squeeze %dma_wait3A_35 : memref<1x40x128xi32, #tpu.memory_space<hbm>> -> memref<40x128xi32, #tpu.memory_space<hbm>>
      %dma_wait3A_37 = arith.constant 40 : i32
      %dma_wait3A_38 = arith.constant 0 : i32
      %dma_wait3A_39 = tpu.memref_slice %arg4[%add3A, %dma_wait3A_37, %dma_wait3A_38] : memref<32x80x128xi32, #tpu.memory_space<hbm>> -> memref<1x40x128xi32, #tpu.memory_space<hbm>>
      %dma_wait3A_40 = tpu.memref_squeeze %dma_wait3A_39 : memref<1x40x128xi32, #tpu.memory_space<hbm>> -> memref<40x128xi32, #tpu.memory_space<hbm>>
      tpu.wait_dma2 semaphore(%run_scoped3A : memref<!tpu.dma_semaphore, #tpu.memory_space<semaphore_mem>>) src(%dma_wait3A_40 : memref<40x128xi32, #tpu.memory_space<hbm>>) dst(%arg8 : memref<40x128xi32, #tpu.memory_space<vmem>>)
      tpu.yield
    }) : () -> ()
    %dma_start3A_13 = arith.constant 0 : i32
    %dma_start3A_14 = arith.constant 0 : i32
    %dma_start3A_15 = tpu.memref_slice %arg7[%dma_start3A_13, %dma_start3A_14] : memref<40x128xi32, #tpu.memory_space<vmem>> -> memref<1x128xi32, #tpu.memory_space<vmem>>
    %dma_start3A_16 = tpu.memref_squeeze %dma_start3A_15 : memref<1x128xi32, #tpu.memory_space<vmem>> -> memref<128xi32, #tpu.memory_space<vmem>>
    %dma_start3A_17 = arith.constant 0 : i32
    %dma_start3A_18 = arith.constant 0 : i32
    %dma_start3A_19 = tpu.memref_slice %arg2[%dma_start3A_17, %dma_start3A_18] : memref<10240x128xf32, #tpu.memory_space<hbm>> -> memref<10240x128xf32, #tpu.memory_space<hbm>>
    tpu.enqueue_indirect_dma source(%dma_start3A_19 : memref<10240x128xf32, #tpu.memory_space<hbm>>) target(%arg9 : memref<128x128xf32, #tpu.memory_space<vmem>>) offsets(%dma_start3A_16 : memref<128xi32, #tpu.memory_space<vmem>>) semaphore(%arg12 : memref<!tpu.dma_semaphore, #tpu.memory_space<semaphore_mem>>)
    %scan3A_20 = arith.constant 0 : i32
    %scan3A_21 = arith.constant 20 : i32
    %scan3A_22 = arith.addi %scan3A_20, %scan3A_21 : i32
    %scan3A_23 = arith.constant 1 : i32
    scf.for %scan3A_26 = %scan3A_20 to %scan3A_22 step %scan3A_23  : i32 {
      %mul3A_27 = arith.constant 2 : i32
      %mul3A_28 = arith.muli %scan3A_26, %mul3A_27 : i32
      %add3A_29 = arith.constant 0 : i32
      %add3A_30 = arith.addi %add3A_29, %mul3A_28 : i32
      %add3A_31 = arith.constant 0 : i32
      %add3A_32 = arith.addi %add3A_30, %add3A_31 : i32
      %add3A_33 = arith.constant 1 : i32
      %add3A_34 = arith.addi %add3A_32, %add3A_33 : i32
      %lt3A = arith.constant 40 : i32
      %lt3A_35 = arith.cmpi slt, %add3A_34, %lt3A : i32
      %convert_element_type3A = arith.extui %lt3A_35 : i1 to i32
      %cond3A = arith.constant 0 : i32
      %cond3A_36 = arith.cmpi ne, %convert_element_type3A, %cond3A : i32
      scf.if %cond3A_36 {
        %add3A_57 = arith.constant 1 : i32
        %add3A_58 = arith.addi %add3A_32, %add3A_57 : i32
        %dma_start3A_59 = arith.constant 0 : i32
        %dma_start3A_60 = tpu.memref_slice %arg7[%add3A_58, %dma_start3A_59] : memref<40x128xi32, #tpu.memory_space<vmem>> -> memref<1x128xi32, #tpu.memory_space<vmem>>
        %dma_start3A_61 = tpu.memref_squeeze %dma_start3A_60 : memref<1x128xi32, #tpu.memory_space<vmem>> -> memref<128xi32, #tpu.memory_space<vmem>>
        %dma_start3A_62 = arith.constant 0 : i32
        %dma_start3A_63 = arith.constant 0 : i32
        %dma_start3A_64 = tpu.memref_slice %arg2[%dma_start3A_62, %dma_start3A_63] : memref<10240x128xf32, #tpu.memory_space<hbm>> -> memref<10240x128xf32, #tpu.memory_space<hbm>>
        tpu.enqueue_indirect_dma source(%dma_start3A_64 : memref<10240x128xf32, #tpu.memory_space<hbm>>) target(%arg10 : memref<128x128xf32, #tpu.memory_space<vmem>>) offsets(%dma_start3A_61 : memref<128xi32, #tpu.memory_space<vmem>>) semaphore(%arg13 : memref<!tpu.dma_semaphore, #tpu.memory_space<semaphore_mem>>)
      } else {
      }
      %dma_wait3A = arith.constant 0 : i32
      %dma_wait3A_37 = tpu.memref_slice %arg7[%add3A_32, %dma_wait3A] : memref<40x128xi32, #tpu.memory_space<vmem>> -> memref<1x128xi32, #tpu.memory_space<vmem>>
      %dma_wait3A_38 = tpu.memref_squeeze %dma_wait3A_37 : memref<1x128xi32, #tpu.memory_space<vmem>> -> memref<128xi32, #tpu.memory_space<vmem>>
      %dma_wait3A_39 = arith.constant 0 : i32
      %dma_wait3A_40 = arith.constant 0 : i32
      %dma_wait3A_41 = tpu.memref_slice %arg2[%dma_wait3A_39, %dma_wait3A_40] : memref<10240x128xf32, #tpu.memory_space<hbm>> -> memref<10240x128xf32, #tpu.memory_space<hbm>>
      tpu.wait_indirect_dma semaphore(%arg12 : memref<!tpu.dma_semaphore, #tpu.memory_space<semaphore_mem>>) src(%dma_wait3A_41 : memref<10240x128xf32, #tpu.memory_space<hbm>>) dst(%arg9 : memref<128x128xf32, #tpu.memory_space<vmem>>)
      "tpu.region"() ({
        %run_scoped3A = tpu.sem_alloc : memref<!tpu.dma_semaphore, #tpu.memory_space<semaphore_mem>>
        %dma_start3A_57 = arith.constant 0 : i32
        %dma_start3A_58 = tpu.memref_slice %arg8[%add3A_32, %dma_start3A_57] : memref<40x128xi32, #tpu.memory_space<vmem>> -> memref<1x128xi32, #tpu.memory_space<vmem>>
        %dma_start3A_59 = tpu.memref_squeeze %dma_start3A_58 : memref<1x128xi32, #tpu.memory_space<vmem>> -> memref<128xi32, #tpu.memory_space<vmem>>
        %dma_start3A_60 = arith.constant 0 : i32
        %dma_start3A_61 = arith.constant 0 : i32
        %dma_start3A_62 = tpu.memref_slice %arg11[%dma_start3A_60, %dma_start3A_61] : memref<10240x128xf32, #tpu.memory_space<vmem_shared>> -> memref<10240x128xf32, #tpu.memory_space<vmem_shared>>
        tpu.enqueue_indirect_dma source(%arg9 : memref<128x128xf32, #tpu.memory_space<vmem>>) target(%dma_start3A_62 : memref<10240x128xf32, #tpu.memory_space<vmem_shared>>) offsets(%dma_start3A_59 : memref<128xi32, #tpu.memory_space<vmem>>) semaphore(%run_scoped3A : memref<!tpu.dma_semaphore, #tpu.memory_space<semaphore_mem>>) {add = true}
        %dma_wait3A_63 = arith.constant 0 : i32
        %dma_wait3A_64 = tpu.memref_slice %arg8[%add3A_32, %dma_wait3A_63] : memref<40x128xi32, #tpu.memory_space<vmem>> -> memref<1x128xi32, #tpu.memory_space<vmem>>
        %dma_wait3A_65 = tpu.memref_squeeze %dma_wait3A_64 : memref<1x128xi32, #tpu.memory_space<vmem>> -> memref<128xi32, #tpu.memory_space<vmem>>
        %dma_wait3A_66 = arith.constant 0 : i32
        %dma_wait3A_67 = arith.constant 0 : i32
        %dma_wait3A_68 = tpu.memref_slice %arg11[%dma_wait3A_66, %dma_wait3A_67] : memref<10240x128xf32, #tpu.memory_space<vmem_shared>> -> memref<10240x128xf32, #tpu.memory_space<vmem_shared>>
        tpu.wait_indirect_dma semaphore(%run_scoped3A : memref<!tpu.dma_semaphore, #tpu.memory_space<semaphore_mem>>) src(%arg9 : memref<128x128xf32, #tpu.memory_space<vmem>>) dst(%dma_wait3A_68 : memref<10240x128xf32, #tpu.memory_space<vmem_shared>>)
        tpu.yield
      }) : () -> ()
      %add3A_42 = arith.constant 1 : i32
      %add3A_43 = arith.addi %add3A_30, %add3A_42 : i32
      %add3A_44 = arith.constant 1 : i32
      %add3A_45 = arith.addi %add3A_43, %add3A_44 : i32
      %lt3A_46 = arith.constant 40 : i32
      %lt3A_47 = arith.cmpi slt, %add3A_45, %lt3A_46 : i32
      %convert_element_type3A_48 = arith.extui %lt3A_47 : i1 to i32
      %cond3A_49 = arith.constant 0 : i32
      %cond3A_50 = arith.cmpi ne, %convert_element_type3A_48, %cond3A_49 : i32
      scf.if %cond3A_50 {
        %add3A_57 = arith.constant 1 : i32
        %add3A_58 = arith.addi %add3A_43, %add3A_57 : i32
        %dma_start3A_59 = arith.constant 0 : i32
        %dma_start3A_60 = tpu.memref_slice %arg7[%add3A_58, %dma_start3A_59] : memref<40x128xi32, #tpu.memory_space<vmem>> -> memref<1x128xi32, #tpu.memory_space<vmem>>
        %dma_start3A_61 = tpu.memref_squeeze %dma_start3A_60 : memref<1x128xi32, #tpu.memory_space<vmem>> -> memref<128xi32, #tpu.memory_space<vmem>>
        %dma_start3A_62 = arith.constant 0 : i32
        %dma_start3A_63 = arith.constant 0 : i32
        %dma_start3A_64 = tpu.memref_slice %arg2[%dma_start3A_62, %dma_start3A_63] : memref<10240x128xf32, #tpu.memory_space<hbm>> -> memref<10240x128xf32, #tpu.memory_space<hbm>>
        tpu.enqueue_indirect_dma source(%dma_start3A_64 : memref<10240x128xf32, #tpu.memory_space<hbm>>) target(%arg9 : memref<128x128xf32, #tpu.memory_space<vmem>>) offsets(%dma_start3A_61 : memref<128xi32, #tpu.memory_space<vmem>>) semaphore(%arg12 : memref<!tpu.dma_semaphore, #tpu.memory_space<semaphore_mem>>)
      } else {
      }
      %dma_wait3A_51 = arith.constant 0 : i32
      %dma_wait3A_52 = tpu.memref_slice %arg7[%add3A_43, %dma_wait3A_51] : memref<40x128xi32, #tpu.memory_space<vmem>> -> memref<1x128xi32, #tpu.memory_space<vmem>>
      %dma_wait3A_53 = tpu.memref_squeeze %dma_wait3A_52 : memref<1x128xi32, #tpu.memory_space<vmem>> -> memref<128xi32, #tpu.memory_space<vmem>>
      %dma_wait3A_54 = arith.constant 0 : i32
      %dma_wait3A_55 = arith.constant 0 : i32
      %dma_wait3A_56 = tpu.memref_slice %arg2[%dma_wait3A_54, %dma_wait3A_55] : memref<10240x128xf32, #tpu.memory_space<hbm>> -> memref<10240x128xf32, #tpu.memory_space<hbm>>
      tpu.wait_indirect_dma semaphore(%arg13 : memref<!tpu.dma_semaphore, #tpu.memory_space<semaphore_mem>>) src(%dma_wait3A_56 : memref<10240x128xf32, #tpu.memory_space<hbm>>) dst(%arg10 : memref<128x128xf32, #tpu.memory_space<vmem>>)
      "tpu.region"() ({
        %run_scoped3A = tpu.sem_alloc : memref<!tpu.dma_semaphore, #tpu.memory_space<semaphore_mem>>
        %dma_start3A_57 = arith.constant 0 : i32
        %dma_start3A_58 = tpu.memref_slice %arg8[%add3A_43, %dma_start3A_57] : memref<40x128xi32, #tpu.memory_space<vmem>> -> memref<1x128xi32, #tpu.memory_space<vmem>>
        %dma_start3A_59 = tpu.memref_squeeze %dma_start3A_58 : memref<1x128xi32, #tpu.memory_space<vmem>> -> memref<128xi32, #tpu.memory_space<vmem>>
        %dma_start3A_60 = arith.constant 0 : i32
        %dma_start3A_61 = arith.constant 0 : i32
        %dma_start3A_62 = tpu.memref_slice %arg11[%dma_start3A_60, %dma_start3A_61] : memref<10240x128xf32, #tpu.memory_space<vmem_shared>> -> memref<10240x128xf32, #tpu.memory_space<vmem_shared>>
        tpu.enqueue_indirect_dma source(%arg10 : memref<128x128xf32, #tpu.memory_space<vmem>>) target(%dma_start3A_62 : memref<10240x128xf32, #tpu.memory_space<vmem_shared>>) offsets(%dma_start3A_59 : memref<128xi32, #tpu.memory_space<vmem>>) semaphore(%run_scoped3A : memref<!tpu.dma_semaphore, #tpu.memory_space<semaphore_mem>>) {add = true}
        %dma_wait3A_63 = arith.constant 0 : i32
        %dma_wait3A_64 = tpu.memref_slice %arg8[%add3A_43, %dma_wait3A_63] : memref<40x128xi32, #tpu.memory_space<vmem>> -> memref<1x128xi32, #tpu.memory_space<vmem>>
        %dma_wait3A_65 = tpu.memref_squeeze %dma_wait3A_64 : memref<1x128xi32, #tpu.memory_space<vmem>> -> memref<128xi32, #tpu.memory_space<vmem>>
        %dma_wait3A_66 = arith.constant 0 : i32
        %dma_wait3A_67 = arith.constant 0 : i32
        %dma_wait3A_68 = tpu.memref_slice %arg11[%dma_wait3A_66, %dma_wait3A_67] : memref<10240x128xf32, #tpu.memory_space<vmem_shared>> -> memref<10240x128xf32, #tpu.memory_space<vmem_shared>>
        tpu.wait_indirect_dma semaphore(%run_scoped3A : memref<!tpu.dma_semaphore, #tpu.memory_space<semaphore_mem>>) src(%arg10 : memref<128x128xf32, #tpu.memory_space<vmem>>) dst(%dma_wait3A_68 : memref<10240x128xf32, #tpu.memory_space<vmem_shared>>)
        tpu.yield
      }) : () -> ()
    }
    %scan3A_24 = arith.constant 20 : i32
    %barrier3A_25 = arith.constant 0 : index
    tpu.barrier barrier_id(%barrier3A_25)
    "tpu.region"() ({
      %run_scoped3A = tpu.sem_alloc : memref<!tpu.dma_semaphore, #tpu.memory_space<semaphore_mem>>
      %dma_start3A_26 = arith.constant 0 : i32
      %dma_start3A_27 = tpu.memref_slice %arg6[%arg0, %mul3A_2, %dma_start3A_26] : memref<2x10240x128xf32, #tpu.memory_space<hbm>> -> memref<1x640x128xf32, #tpu.memory_space<hbm>>
      %dma_start3A_28 = tpu.memref_squeeze %dma_start3A_27 : memref<1x640x128xf32, #tpu.memory_space<hbm>> -> memref<640x128xf32, #tpu.memory_space<hbm>>
      %dma_start3A_29 = arith.constant 0 : i32
      %dma_start3A_30 = tpu.memref_slice %arg11[%mul3A_2, %dma_start3A_29] : memref<10240x128xf32, #tpu.memory_space<vmem_shared>> -> memref<640x128xf32, #tpu.memory_space<vmem_shared>>
      tpu.enqueue_dma source(%dma_start3A_30 : memref<640x128xf32, #tpu.memory_space<vmem_shared>>) target(%dma_start3A_28 : memref<640x128xf32, #tpu.memory_space<hbm>>) target_semaphore(%run_scoped3A : memref<!tpu.dma_semaphore, #tpu.memory_space<semaphore_mem>>)
      %dma_wait3A = arith.constant 0 : i32
      %dma_wait3A_31 = tpu.memref_slice %arg6[%arg0, %mul3A_2, %dma_wait3A] : memref<2x10240x128xf32, #tpu.memory_space<hbm>> -> memref<1x640x128xf32, #tpu.memory_space<hbm>>
      %dma_wait3A_32 = tpu.memref_squeeze %dma_wait3A_31 : memref<1x640x128xf32, #tpu.memory_space<hbm>> -> memref<640x128xf32, #tpu.memory_space<hbm>>
      %dma_wait3A_33 = arith.constant 0 : i32
      %dma_wait3A_34 = tpu.memref_slice %arg11[%mul3A_2, %dma_wait3A_33] : memref<10240x128xf32, #tpu.memory_space<vmem_shared>> -> memref<640x128xf32, #tpu.memory_space<vmem_shared>>
      tpu.wait_dma2 semaphore(%run_scoped3A : memref<!tpu.dma_semaphore, #tpu.memory_space<semaphore_mem>>) src(%dma_wait3A_34 : memref<640x128xf32, #tpu.memory_space<vmem_shared>>) dst(%dma_wait3A_32 : memref<640x128xf32, #tpu.memory_space<hbm>>)
      tpu.yield
    }) : () -> ()
    return
  }
}

module attributes {stable_mosaic.version = 14 : i64} {
  func.func @_tc1_body(%arg0: memref<32x10240xf32, #tpu.memory_space<vmem>>, %arg1: memref<32x10240xf32, #tpu.memory_space<vmem>>, %arg2: memref<10240x128xf32, #tpu.memory_space<vmem>>, %arg3: memref<128x128xf32, #tpu.memory_space<vmem>>, %arg4: memref<10240x128xf32, #tpu.memory_space<vmem>>, %arg5: memref<10240x1xf32, #tpu.memory_space<vmem>>, %arg6: memref<10240x1xf32, #tpu.memory_space<vmem>>) attributes {dimension_semantics = [], scalar_prefetch = 0 : i64, scratch_operands = 0 : i64, tpu.core_type = #tpu.core_type<tc>} {
    %get3A = arith.constant 0 : index
    %get3A_0 = arith.constant 0 : index
    %get3A_1 = vector.load %arg0[%get3A, %get3A_0] : memref<32x10240xf32, #tpu.memory_space<vmem>>, vector<32x10240xf32>
    %reduce_sum3A = arith.constant dense<0.000000e+00> : vector<10240xf32>
    %reduce_sum3A_2 = vector.multi_reduction <add>, %get3A_1, %reduce_sum3A [0] : vector<32x10240xf32> to vector<10240xf32>
    %broadcast_in_dim3A = vector.shape_cast %reduce_sum3A_2 : vector<10240xf32> to vector<1x10240xf32>
    %get3A_3 = arith.constant 0 : index
    %get3A_4 = arith.constant 0 : index
    %get3A_5 = vector.load %arg1[%get3A_3, %get3A_4] : memref<32x10240xf32, #tpu.memory_space<vmem>>, vector<32x10240xf32>
    %reduce_sum3A_6 = arith.constant dense<0.000000e+00> : vector<10240xf32>
    %reduce_sum3A_7 = vector.multi_reduction <add>, %get3A_5, %reduce_sum3A_6 [0] : vector<32x10240xf32> to vector<10240xf32>
    %broadcast_in_dim3A_8 = vector.shape_cast %reduce_sum3A_7 : vector<10240xf32> to vector<1x10240xf32>
    %max3A = arith.constant 1.000000e+00 : f32
    %max3A_9 = vector.broadcast %max3A : f32 to vector<1x10240xf32>
    %max3A_10 = arith.maximumf %broadcast_in_dim3A, %max3A_9 : vector<1x10240xf32>
    %rsqrt3A = math.rsqrt %max3A_10 : vector<1x10240xf32>
    %reshape3A = vector.shape_cast %rsqrt3A : vector<1x10240xf32> to vector<10240x1xf32>
    %max3A_11 = arith.constant 1.000000e+00 : f32
    %max3A_12 = vector.broadcast %max3A_11 : f32 to vector<1x10240xf32>
    %max3A_13 = arith.maximumf %broadcast_in_dim3A_8, %max3A_12 : vector<1x10240xf32>
    %rsqrt3A_14 = math.rsqrt %max3A_13 : vector<1x10240xf32>
    %reshape3A_15 = vector.shape_cast %rsqrt3A_14 : vector<1x10240xf32> to vector<10240x1xf32>
    %swap3A = arith.constant 0 : index
    %swap3A_16 = arith.constant 0 : index
    %swap3A_17 = vector.load %arg5[%swap3A, %swap3A_16] : memref<10240x1xf32, #tpu.memory_space<vmem>>, vector<10240x1xf32>
    tpu.vector_store %arg5[%swap3A, %swap3A_16], %reshape3A {strides = array<i32>} : memref<10240x1xf32, #tpu.memory_space<vmem>>, vector<10240x1xf32>,
    %swap3A_18 = arith.constant 0 : index
    %swap3A_19 = arith.constant 0 : index
    %swap3A_20 = vector.load %arg6[%swap3A_18, %swap3A_19] : memref<10240x1xf32, #tpu.memory_space<vmem>>, vector<10240x1xf32>
    tpu.vector_store %arg6[%swap3A_18, %swap3A_19], %reshape3A_15 {strides = array<i32>} : memref<10240x1xf32, #tpu.memory_space<vmem>>, vector<10240x1xf32>,
    %get3A_21 = arith.constant 0 : index
    %get3A_22 = arith.constant 0 : index
    %get3A_23 = vector.load %arg2[%get3A_21, %get3A_22] : memref<10240x128xf32, #tpu.memory_space<vmem>>, vector<10240x128xf32>
    %mul3A = vector.broadcast %reshape3A : vector<10240x1xf32> to vector<10240x128xf32>
    %mul3A_24 = arith.mulf %get3A_23, %mul3A : vector<10240x128xf32>
    %get3A_25 = arith.constant 0 : index
    %get3A_26 = arith.constant 0 : index
    %get3A_27 = vector.load %arg3[%get3A_25, %get3A_26] : memref<128x128xf32, #tpu.memory_space<vmem>>, vector<128x128xf32>
    %dot_general3A = arith.constant dense<0.000000e+00> : vector<10240x128xf32>
    %dot_general3A_28 = tpu.matmul %mul3A_24, %get3A_27, %dot_general3A {dimension_numbers = #tpu.dot_dimension_numbers<[1], [0], [0], [1], [0, 0, 1, 1], [], []>, transpose_lhs_hint = false} : vector<10240x128xf32>, vector<128x128xf32>, vector<10240x128xf32> -> vector<10240x128xf32>
    %swap3A_29 = arith.constant 0 : index
    %swap3A_30 = arith.constant 0 : index
    %swap3A_31 = vector.load %arg4[%swap3A_29, %swap3A_30] : memref<10240x128xf32, #tpu.memory_space<vmem>>, vector<10240x128xf32>
    tpu.vector_store %arg4[%swap3A_29, %swap3A_30], %dot_general3A_28 {strides = array<i32>} : memref<10240x128xf32, #tpu.memory_space<vmem>>, vector<10240x128xf32>,
    return
  }
}

module attributes {stable_mosaic.version = 14 : i64} {
  func.func @_tc2_body(%arg0: memref<2x10240x128xf32, #tpu.memory_space<vmem>>, %arg1: memref<10240x1xf32, #tpu.memory_space<vmem>>, %arg2: memref<10240x1xf32, #tpu.memory_space<vmem>>, %arg3: memref<1x128xf32, #tpu.memory_space<vmem>>, %arg4: memref<128x128xf32, #tpu.memory_space<vmem>>, %arg5: memref<10240x128xf32, #tpu.memory_space<vmem>>) attributes {dimension_semantics = [], scalar_prefetch = 0 : i64, scratch_operands = 0 : i64, tpu.core_type = #tpu.core_type<tc>} {
    %get3A = arith.constant 0 : index
    %get3A_0 = arith.constant 0 : index
    %get3A_1 = arith.constant 0 : index
    %get3A_2 = vector.load %arg0[%get3A, %get3A_0, %get3A_1] : memref<2x10240x128xf32, #tpu.memory_space<vmem>>, vector<1x10240x128xf32>
    %get3A_3 = vector.shape_cast %get3A_2 : vector<1x10240x128xf32> to vector<10240x128xf32>
    %get3A_4 = arith.constant 1 : index
    %get3A_5 = arith.constant 0 : index
    %get3A_6 = arith.constant 0 : index
    %get3A_7 = vector.load %arg0[%get3A_4, %get3A_5, %get3A_6] : memref<2x10240x128xf32, #tpu.memory_space<vmem>>, vector<1x10240x128xf32>
    %get3A_8 = vector.shape_cast %get3A_7 : vector<1x10240x128xf32> to vector<10240x128xf32>
    %add3A = arith.addf %get3A_3, %get3A_8 : vector<10240x128xf32>
    %get3A_9 = arith.constant 0 : index
    %get3A_10 = arith.constant 0 : index
    %get3A_11 = vector.load %arg1[%get3A_9, %get3A_10] : memref<10240x1xf32, #tpu.memory_space<vmem>>, vector<10240x1xf32>
    %mul3A = vector.broadcast %get3A_11 : vector<10240x1xf32> to vector<10240x128xf32>
    %mul3A_12 = arith.mulf %add3A, %mul3A : vector<10240x128xf32>
    %get3A_13 = arith.constant 0 : index
    %get3A_14 = arith.constant 0 : index
    %get3A_15 = vector.load %arg3[%get3A_13, %get3A_14] : memref<1x128xf32, #tpu.memory_space<vmem>>, vector<1x128xf32>
    %add3A_16 = vector.broadcast %get3A_15 : vector<1x128xf32> to vector<10240x128xf32>
    %add3A_17 = arith.addf %mul3A_12, %add3A_16 : vector<10240x128xf32>
    %ge3A = arith.constant 0.000000e+00 : f32
    %ge3A_18 = vector.broadcast %ge3A : f32 to vector<10240x128xf32>
    %ge3A_19 = arith.cmpf oge, %add3A_17, %ge3A_18 : vector<10240x128xf32>
    %mul3A_20 = arith.constant 0.00999999977 : f32
    %mul3A_21 = vector.broadcast %mul3A_20 : f32 to vector<10240x128xf32>
    %mul3A_22 = arith.mulf %mul3A_21, %add3A_17 : vector<10240x128xf32>
    %select_n3A = arith.select %ge3A_19, %add3A_17, %mul3A_22 : vector<10240x128xi1>, vector<10240x128xf32>
    %get3A_23 = arith.constant 0 : index
    %get3A_24 = arith.constant 0 : index
    %get3A_25 = vector.load %arg2[%get3A_23, %get3A_24] : memref<10240x1xf32, #tpu.memory_space<vmem>>, vector<10240x1xf32>
    %mul3A_26 = vector.broadcast %get3A_25 : vector<10240x1xf32> to vector<10240x128xf32>
    %mul3A_27 = arith.mulf %select_n3A, %mul3A_26 : vector<10240x128xf32>
    %get3A_28 = arith.constant 0 : index
    %get3A_29 = arith.constant 0 : index
    %get3A_30 = vector.load %arg4[%get3A_28, %get3A_29] : memref<128x128xf32, #tpu.memory_space<vmem>>, vector<128x128xf32>
    %dot_general3A = arith.constant dense<0.000000e+00> : vector<10240x128xf32>
    %dot_general3A_31 = tpu.matmul %mul3A_27, %get3A_30, %dot_general3A {dimension_numbers = #tpu.dot_dimension_numbers<[1], [0], [0], [1], [0, 0, 1, 1], [], []>, transpose_lhs_hint = false} : vector<10240x128xf32>, vector<128x128xf32>, vector<10240x128xf32> -> vector<10240x128xf32>
    %swap3A = arith.constant 0 : index
    %swap3A_32 = arith.constant 0 : index
    %swap3A_33 = vector.load %arg5[%swap3A, %swap3A_32] : memref<10240x128xf32, #tpu.memory_space<vmem>>, vector<10240x128xf32>
    tpu.vector_store %arg5[%swap3A, %swap3A_32], %dot_general3A_31 {strides = array<i32>} : memref<10240x128xf32, #tpu.memory_space<vmem>>, vector<10240x128xf32>,
    return
  }
}

module attributes {stable_mosaic.version = 14 : i64} {
  func.func @_tc3_body(%arg0: memref<2x10240x128xf32, #tpu.memory_space<vmem>>, %arg1: memref<10240x1xf32, #tpu.memory_space<vmem>>, %arg2: memref<1x128xf32, #tpu.memory_space<vmem>>, %arg3: memref<128x16xf32, #tpu.memory_space<vmem>>, %arg4: memref<1x16xf32, #tpu.memory_space<vmem>>, %arg5: memref<10240x16xf32, #tpu.memory_space<vmem>>) attributes {dimension_semantics = [], scalar_prefetch = 0 : i64, scratch_operands = 0 : i64, tpu.core_type = #tpu.core_type<tc>} {
    %get3A = arith.constant 0 : index
    %get3A_0 = arith.constant 0 : index
    %get3A_1 = arith.constant 0 : index
    %get3A_2 = vector.load %arg0[%get3A, %get3A_0, %get3A_1] : memref<2x10240x128xf32, #tpu.memory_space<vmem>>, vector<1x10240x128xf32>
    %get3A_3 = vector.shape_cast %get3A_2 : vector<1x10240x128xf32> to vector<10240x128xf32>
    %get3A_4 = arith.constant 1 : index
    %get3A_5 = arith.constant 0 : index
    %get3A_6 = arith.constant 0 : index
    %get3A_7 = vector.load %arg0[%get3A_4, %get3A_5, %get3A_6] : memref<2x10240x128xf32, #tpu.memory_space<vmem>>, vector<1x10240x128xf32>
    %get3A_8 = vector.shape_cast %get3A_7 : vector<1x10240x128xf32> to vector<10240x128xf32>
    %add3A = arith.addf %get3A_3, %get3A_8 : vector<10240x128xf32>
    %get3A_9 = arith.constant 0 : index
    %get3A_10 = arith.constant 0 : index
    %get3A_11 = vector.load %arg1[%get3A_9, %get3A_10] : memref<10240x1xf32, #tpu.memory_space<vmem>>, vector<10240x1xf32>
    %mul3A = vector.broadcast %get3A_11 : vector<10240x1xf32> to vector<10240x128xf32>
    %mul3A_12 = arith.mulf %add3A, %mul3A : vector<10240x128xf32>
    %get3A_13 = arith.constant 0 : index
    %get3A_14 = arith.constant 0 : index
    %get3A_15 = vector.load %arg2[%get3A_13, %get3A_14] : memref<1x128xf32, #tpu.memory_space<vmem>>, vector<1x128xf32>
    %add3A_16 = vector.broadcast %get3A_15 : vector<1x128xf32> to vector<10240x128xf32>
    %add3A_17 = arith.addf %mul3A_12, %add3A_16 : vector<10240x128xf32>
    %ge3A = arith.constant 0.000000e+00 : f32
    %ge3A_18 = vector.broadcast %ge3A : f32 to vector<10240x128xf32>
    %ge3A_19 = arith.cmpf oge, %add3A_17, %ge3A_18 : vector<10240x128xf32>
    %mul3A_20 = arith.constant 0.00999999977 : f32
    %mul3A_21 = vector.broadcast %mul3A_20 : f32 to vector<10240x128xf32>
    %mul3A_22 = arith.mulf %mul3A_21, %add3A_17 : vector<10240x128xf32>
    %select_n3A = arith.select %ge3A_19, %add3A_17, %mul3A_22 : vector<10240x128xi1>, vector<10240x128xf32>
    %get3A_23 = arith.constant 0 : index
    %get3A_24 = arith.constant 0 : index
    %get3A_25 = vector.load %arg3[%get3A_23, %get3A_24] : memref<128x16xf32, #tpu.memory_space<vmem>>, vector<128x16xf32>
    %dot_general3A = arith.constant dense<0.000000e+00> : vector<10240x16xf32>
    %dot_general3A_26 = tpu.matmul %select_n3A, %get3A_25, %dot_general3A {dimension_numbers = #tpu.dot_dimension_numbers<[1], [0], [0], [1], [0, 0, 1, 1], [], []>, transpose_lhs_hint = false} : vector<10240x128xf32>, vector<128x16xf32>, vector<10240x16xf32> -> vector<10240x16xf32>
    %get3A_27 = arith.constant 0 : index
    %get3A_28 = arith.constant 0 : index
    %get3A_29 = vector.load %arg4[%get3A_27, %get3A_28] : memref<1x16xf32, #tpu.memory_space<vmem>>, vector<1x16xf32>
    %add3A_30 = vector.broadcast %get3A_29 : vector<1x16xf32> to vector<10240x16xf32>
    %add3A_31 = arith.addf %dot_general3A_26, %add3A_30 : vector<10240x16xf32>
    %swap3A = arith.constant 0 : index
    %swap3A_32 = arith.constant 0 : index
    %swap3A_33 = vector.load %arg5[%swap3A, %swap3A_32] : memref<10240x16xf32, #tpu.memory_space<vmem>>, vector<10240x16xf32>
    tpu.vector_store %arg5[%swap3A, %swap3A_32], %add3A_31 {strides = array<i32>} : memref<10240x16xf32, #tpu.memory_space<vmem>>, vector<10240x16xf32>,
    return
  }
}

</mosaic_0001>

<sc_bundles>
// kernel: kernel.11.cloned.1.call-start
scs
__scs_entry_jumppad:
0x0: {  	(pc) =	sbr.rel $0x88, $3  }
0x1: {  	(tag) =	ssettag $0x0;
	lr =	simm.s32 $0x1  }
0x2: {  	[smem:$0x3F99] =	sst lr;
	_ =	strace $0xD0000000  }
0x3: {  	_ = 	snop  }
0x4: {  	_ = 	snop  }
0x5: {  	_ = 	snop  }
0x6: {  	_ = 	snop  }
0x7: {  	_ = 	snop  }
__scs_overlays_trampoline_lowered:
0x8: {  	[smem:$0x3FA8] =	sst s0  }
0x9: {  	[smem:$0x3FA9] =	sst s1  }
0xa: {  	[smem:$0x3FAA] =	sst s2  }
0xb: {  	[smem:$0x3FAB] =	sst s3  }
0xc: {  	[smem:$0x3FAC] =	sst s4  }
0xd: {  	[smem:$0x3FAD] =	sst s5  }
0xe: {  	[smem:$0x3FAE] =	sst s6  }
0xf: {  	[smem:$0x3FAF] =	sst s7  }
0x10: {  	[smem:$0x3FB0] =	sst s8  }
0x11: {  	[smem:$0x3FB1] =	sst s9;
	s0 =	simm.s32 @!p0 $0x0  }
0x12: {  	s1 =	sld [smem:$0x3F97];
	s0 =	simm.s32 @p0 $0x1  }
0x13: {  	[smem:$0x3FB2] =	sst s0;
	s0 =	simm.s32 @!p1 $0x0  }
0x14: {  	s2 =	sld [smem:$0x3F96];
	s0 =	simm.s32 @p1 $0x1  }
0x15: {  	[smem:$0x3FB3] =	sst s0;
	s0 =	simm.s32 @!p2 $0x0  }
0x16: {  	s3 =	sld [smem:$0x3FDB];
	s0 =	simm.s32 @p2 $0x1  }
0x17: {  	s4 =	simm.s32 $0x1BF5;
	[smem:$0x3FB5] =	sst s0  }
0x18: {  	s0 =	sld [smem:$0x3F98];
	_ =	swait.ge [sflag:s4], $0x0  }
0x19: {  	s7 =	sld [smem:$0x3F99]  }
0x1a: {  	s8 =	sadd.s32 $0xFFFFE003, lr  }
0x1b: {  	s9 =	sadd.s32 $0xFFFFFEF7, lr;
	s5 =	simm.s32 $0xFFFFFFFF;
	p2 =	slt.u32 s8, $0xFFFFF086  }
0x1c: {  	p1 =	slt.u32 s9, $0xF7A;
	s5 =	simm.s32 @!p2 $0x0  }
0x1d: {  	s5 =	simm.s32 @p1 $0x1;
	p0 =	seq.s32 s7, s2  }
0x1e: {  	s7 =	smul.u32 @!p0 $0xF7A, s2;
	p2 =	seq.s32 @!p0 s5, $0x0  }
0x1f: {  	s9 =	smul.u32 $0xF7A, s1;
	s8 =	simm.s32 @!p0 $0x1BF5;
	p2 =	por !p2, p0  }
0x20: {  	[sflag:s8] =	ssyncset.s32 @!p0 $0xFFFFF086;
	s6 =	sadd.s32 @!p0 s3, s7;
	s7 =	simm.s32 @!p0 $0x108  }
0x21: {  	s3 =	sadd.s32 s3, s9;
	s6 =	sadd.s32 @!p0 $0x88, s6;
	s7 =	simm.s32 @p2 $0x1082  }
0x22: {  	[simem:s7], [sflag:s8] =	dma.local @!p0 [hbm:s6], $0xF7A  }
0x23: {  	s9 =	sor.u32 $0xD0000000, s2;
	s6 =	simm.s32 $0x108;
	_ =	swait.ge @!p0 [sflag:s8], $0x0  }
0x24: {  	s3 =	sadd.s32 $0x88, s3;
	s6 =	simm.s32 @!p1 $0x1082;
	[sflag:s4] =	ssyncset.s32 $0xFFFFF086  }
0x25: {  	[simem:s6], [sflag:s4] =	dma.local [hbm:s3], $0xF7A  }
0x26: {  	[smem:$0x3F99] =	sst s1;
	(tag) =	ssettag s2;
	_ =	strace s9  }
0x27: {  	s1 =	sld [smem:$0x3FA9]  }
0x28: {  	s2 =	sld [smem:$0x3FAA]  }
0x29: {  	s4 =	sld [smem:$0x3FAC]  }
0x2a: {  	p0 =	seq.s32 s5, $0x0;
	s5 =	sld [smem:$0x3FAD]  }
0x2b: {  	s6 =	sld [smem:$0x3FAE]  }
0x2c: {  	s7 =	sld [smem:$0x3FAF]  }
0x2d: {  	s3 =	simm.s32 $0x108;
	s8 =	sld [smem:$0x3FB0]  }
0x2e: {  	s3 =	simm.s32 @!p0 $0x1082;
	s9 =	sld [smem:$0x3FB1]  }
0x2f: {  	lr =	sadd.s32 s0, s3;
	s0 =	sld [smem:$0x3FA8]  }
0x30: {  	s3 =	sld [smem:$0x3FAB]  }
0x31: {  	[smem:$0x3FB4] =	sst s10  }
0x32: {  	s10 =	sld [smem:$0x3FB2];
	_ =	sdelay $0x3  }
0x33: {  	p0 =	seq.s32 s10, $0x1;
	s10 =	sld [smem:$0x3FB4];
	_ =	sdelay $0x3  }
0x34: {  	[smem:$0x3FB4] =	sst s10  }
0x35: {  	s10 =	sld [smem:$0x3FB3];
	_ =	sdelay $0x3  }
0x36: {  	p1 =	seq.s32 s10, $0x1;
	s10 =	sld [smem:$0x3FB4];
	_ =	sdelay $0x3  }
0x37: {  	[smem:$0x3FB4] =	sst s10  }
0x38: {  	s10 =	sld [smem:$0x3FB5]  }
0x39: {  	_ = 	snop;
	(pc) =	sbr.ind lr, $3  }
0x3a: {  	_ = 	snop  }
0x3b: {  	_ = 	snop  }
0x3c: {  	p2 =	seq.s32 s10, $0x1;
	s10 =	sld [smem:$0x3FB4]  }
0x3d: {  	_ =	shalt  }
0x3e: {  	_ =	shalt  }
0x3f: {  	_ =	shalt  }
0x40: {  	_ =	shalt  }
0x41: {  	_ =	shalt  }
0x42: {  	_ =	shalt  }
0x43: {  	_ =	shalt  }
0x44: {  	_ =	shalt  }
0x45: {  	_ =	shalt  }
0x46: {  	_ =	shalt  }
0x47: {  	_ =	shalt  }
0x48: {  	_ =	shalt  }
0x49: {  	_ =	shalt  }
0x4a: {  	_ =	shalt  }
0x4b: {  	_ =	shalt  }
0x4c: {  	_ =	shalt  }
0x4d: {  	_ =	shalt  }
0x4e: {  	_ =	shalt  }
0x4f: {  	_ =	shalt  }
0x50: {  	_ =	shalt  }
0x51: {  	_ =	shalt  }
0x52: {  	_ =	shalt  }
0x53: {  	_ =	shalt  }
0x54: {  	_ =	shalt  }
0x55: {  	_ =	shalt  }
0x56: {  	_ =	shalt  }
0x57: {  	_ =	shalt  }
0x58: {  	_ =	shalt  }
0x59: {  	_ =	shalt  }
0x5a: {  	_ =	shalt  }
0x5b: {  	_ =	shalt  }
0x5c: {  	_ =	shalt  }
0x5d: {  	_ =	shalt  }
0x5e: {  	_ =	shalt  }
0x5f: {  	_ =	shalt  }
0x60: {  	_ =	shalt  }
0x61: {  	_ =	shalt  }
0x62: {  	_ =	shalt  }
0x63: {  	_ =	shalt  }
0x64: {  	_ =	shalt  }
0x65: {  	_ =	shalt  }
0x66: {  	_ =	shalt  }
0x67: {  	_ =	shalt  }
0x68: {  	_ =	shalt  }
0x69: {  	_ =	shalt  }
0x6a: {  	_ =	shalt  }
0x6b: {  	_ =	shalt  }
0x6c: {  	_ =	shalt  }
0x6d: {  	_ =	shalt  }
0x6e: {  	_ =	shalt  }
0x6f: {  	_ =	shalt  }
0x70: {  	_ =	shalt  }
0x71: {  	_ =	shalt  }
0x72: {  	_ =	shalt  }
0x73: {  	_ =	shalt  }
0x74: {  	_ =	shalt  }
0x75: {  	_ =	shalt  }
0x76: {  	_ =	shalt  }
0x77: {  	_ =	shalt  }
0x78: {  	_ =	shalt  }
0x79: {  	_ =	shalt  }
0x7a: {  	_ =	shalt  }
0x7b: {  	_ =	shalt  }
0x7c: {  	_ =	shalt  }
0x7d: {  	_ =	shalt  }
0x7e: {  	_ =	shalt  }
0x7f: {  	_ =	shalt  }
0x80: {  	_ =	shalt  }
0x81: {  	_ =	shalt  }
0x82: {  	_ =	shalt  }
0x83: {  	_ =	shalt  }
0x84: {  	_ =	shalt  }
0x85: {  	_ =	shalt  }
0x86: {  	_ =	shalt  }
0x87: {  	_ =	shalt  }
.Lfunc_end0:
.L_simem_size_0:
called_computation.1_lowered:
.L_overlay_start_0:
0x88: {  	s2 =	sld [smem:$0x3FD9]  }
0x89: {  	s3 =	sld [smem:$0x3FFE];
	_ =	sdelay $0x1  }
0x8a: {  	s1 =	srdreg.scid  }
0x8b: {  	s0 =	sand.u32 $0x1, s1  }
0x8c: {  	s17 =	sshll.u32 s0, $0xA;
	s2 =	sadd.s32 s3, s2  }
0x8d: {  	s2 =	sadd.s32 s2, s17  }
0x8e: {  	[smem:$0x3FC0] =	sst s2  }
0x8f: {  	_ = 	snop  }
0x90: {  	s2 =	sld [smem:$0x3FD0];
	(tm) =	ssettm $0x1  }
0x91: {  	s18 =	sld [smem:$0x3FFB];
	_ =	sdelay $0x3  }
0x92: {  	_ =	strace s18  }
0x93: {  	s3 =	sld [smem:$0x3FFC];
	_ =	sdelay $0x3  }
0x94: {  	_ =	strace s3  }
0x95: {  	s3 =	sld [smem:$0x3FFD];
	_ =	sdelay $0x3  }
0x96: {  	_ =	strace s3  }
0x97: {  	_ =	strace $0x8FFFFFFF  }
0x98: {  	s19 =	sld [smem:$0x3FDB];
	_ =	sdelay $0x1  }
0x99: {  	s4 =	simm.s32 $_scs_section_size  }
0x9a: {  	s5 =	simm.s32 $_size__tile_overlayer_lowered;
	s6 =	simm.s32 $_tile_overlayer_lowered  }
0x9b: {  	s22 =	simm.s32 $0x1BFF;
	s21 =	sshll.u32 s6, $0x1;
	s3 =	sadd.s32 s4, s19  }
0x9c: {  	s7 =	simm.s32 $0x0;
	s20 =	sshll.u32 s5, $0x1;
	s5 =	sadd.s32 s21, s3  }
0x9d: {  	[timem:s7], [sflag:s22] =	dma.local [hbm:s5], s20  }
0x9e: {  	_ =	swait.ge [sflag:s22], s20  }
0x9f: {  	s4 =	ssub.s32 $0x0, s20;
	[sflag:s22] =	ssyncset.done $0x0  }
0xa0: {  	[sflag:s22] =	ssyncadd.s32 s4;
	_ =	sdelay $0x1  }
0xa1: {  	s23 =	simm.s32 $0x1B8B  }
0xa2: {  	_ =	swait.ge [sflag:s23], $0x1  }
0xa3: {  	[sflag:s23] =	ssyncset.done $0x0  }
0xa4: {  	s25 =	simm.s32 $0x1B8E;
	s24 =	sld [smem:$0x3FFE];
	[sflag:s23] =	ssyncadd.s32 $0xFFFFFFFF  }
0xa5: {  	s26 =	simm.s32 $execute0_lowered;
	[smem:$0x3FD2] =	sst s25  }
0xa6: {  	s5 =	sshll.u32 s26, $0x1;
	_ =	strace $0x80000049;
	[dreg:$0x1] =	wrdreg $0xFFFFFFFF  }
0xa7: {  	s28 =	simm.s32 $_size_execute0_lowered;
	s3 =	sadd.s32 s3, s5;
	[dreg:$0x0] =	wrdreg $0x0  }
0xa8: {  	s5 =	sshll.u32 s28, $0x1;
	[dreg:$0x2] =	wrdreg s3  }
0xa9: {  	[dreg:$0x3] =	wrdreg s5  }
0xaa: {  	[dreg:$0x4] =	wrdreg $0xC0  }
0xab: {  	_ =	task [dreg:s7], $0x5FFFF  }
0xac: {  	[dreg:$0x1] =	wrdreg $0xFFFFFFFF  }
0xad: {  	[dreg:$0x0] =	wrdreg $0x60  }
0xae: {  	[dreg:$0x2] =	wrdreg s24  }
0xaf: {  	[dreg:$0x3] =	wrdreg s2  }
0xb0: {  	[dreg:$0x4] =	wrdreg $0xA8000  }
0xb1: {  	[dreg:$0x5] =	wrdreg $0x9  }
0xb2: {  	_ =	task.clear_ibuf [dreg:s7], $0x6FFFF;
	_ =	strace $0x90000049  }
0xb3: {  	s29 =	simm.s32 $0x9;
	_ =	strace $0x8000004B  }
0xb4: {  	_ =	swait.ge [sflag:s29], $0x1  }
0xb5: {  	[sflag:s29] =	ssyncadd.s32 $0xFFFFFFFF  }
0xb6: {  	_ =	strace $0x9000004B  }
0xb7: {  	_ =	sfence  }
0xb8: {  	s30 =	sld [smem:$0x0];
	_ =	sdelay $0x2  }
0xb9: {  	s31 =	sshll.u32 s1, $0xD;
	s1 =	sshrl.u32 s1, $0x2  }
0xba: {  	s3 =	sand.u32 $0x4000, s31;
	s1 =	sadd.s32 s1, s30  }
0xbb: {  	s0 =	sor.u32 s3, s0;
	s1 =	sshll.u32 s1, $0x11  }
0xbc: {  	s0 =	sor.u32 s1, s0  }
0xbd: {  	s0 =	sadd.s32 $0x8F2B, s0  }
0xbe: {  	[sflag:s0] =	ssyncadd.remote.s32 $0x1  }
0xbf: {  	_ =	sfence.sel $0xFFFF  }
0xc0: {  	[dreg:$0x0] =	wrdreg $0xFFFFFFFF;
	(pc) =	sbr.abs _section_cstart, $3  }
0xc1: {  	[dreg:$0x1] =	wrdreg $0xFFFFFFFF  }
0xc2: {  	_ =	task.clear_ibuf [dreg:s7], $0x2FFFF;
	_ =	strace $0x9FFFFFFF  }
0xc3: {  	(tm) =	ssettm $0x7FFFFFFF  }
tec
execute0_lowered:
.L_overlay_start_1:
0x0: {  	(tag) =	ssettag $0x1  }
0x1: {  	s6 =	rddreg [dreg:$0x0]  }
0x2: {  	s1 =	rddreg [dreg:$0x1]  }
0x3: {  	s2 =	rddreg [dreg:$0x2];
	s3 =	srdreg.scid  }
0x4: {  	s0 =	rddreg [dreg:$0x3];
	s4 =	simm.s32 $0x0;
	s16 =	simm.s32 $0x80  }
0x5: {  	s17 =	simm.s32 $0x2800;
	s18 =	simm.s32 $0x6800;
	s19 =	simm.s32 $0x1  }
0x6: {  	s20 =	simm.s32 $0x2;
	s21 =	simm.s32 $0x1380;
	s22 =	simm.s32 $0x2700  }
0x7: {  	s23 =	simm.s32 $0x2780;
	s24 =	simm.s32 $0x0;
	s7 =	sand.u32 $0x1, s3  }
0x8: {  	s3 =	stileid.u32;
	[smem:$0x7FF] =	sst s4;
	s5 =	sadd.s32 $0x16A00, s6  }
0x9: {  	s10 =	sadd.s32 $0xCA00, s6;
	s13 =	sadd.s32 $0x2A00, s6;
	s8 =	smul.u32 $0x140000, s7  }
0xa: {  	s9 =	smul.u32 $0x14000, s3;
	_ =	strace $0x8000004A;
	s26 =	sshll.u32 s7, $0x4  }
0xb: {  	s7 =	ssub.s32 $0x2, s7;
	s11 =	smul.u32 $0x50000, s3;
	s29 =	sshll.u32 s3, $0x6  }
0xc: {  	s12 =	sshrl.u32 s7, $0x1;
	s8 =	sadd.s32 s9, s8;
	s9 =	sor.u32 s3, s26  }
0xd: {  	s12 =	ssub.s32 s7, s12;
	s28 =	sshrl.u32 s11, $0x2;
	s9 =	smul.u32 $0x2800, s9  }
0xe: {  	s8 =	sshrl.u32 s8, $0x3;
	s15 =	sadd.s32 s28, s2;
	s12 =	smax.u32 s12, $0x1  }
0xf: {  	s14 =	sadd.s32 s8, s6;
	s6 =	sor.u32 $0x1C03, s29;
	s30 =	sshrl.u32 s9, $0x3  }
0x10: {  	s11 =	sadd.s32 $0x3EA00, s14;
	s14 =	simm.s32 $0x3;
	s31 =	sadd.s32 $0x280, s30  }
0x11: {  	s7 =	sadd.s32 s10, s30;
	s8 =	sadd.s32 s13, s30;
	s9 =	sadd.s32 s10, s31  }
0x12: {  	s10 =	sadd.s32 s13, s31;
	s13 =	sshrl.u32 s15, $0x3;
	s15 =	simm.s32 $0x1400  }
.LBB2_1:
0x13: {  	[spmem:s13], [sflag:s6] =	dma.local [hbm:s1], $0x2800  }
0x14: {  	_ =	swait.ge [sflag:s14], $0x2800  }
0x15: {  	[sflag:s14] =	ssyncset.done $0x0  }
0x16: {  	[sflag:s14] =	ssyncadd.s32 $0xFFFFD800  }
0x17: {  	[bflag:$0x0] =	sbarrier.arrive $0xFFFF  }
0x18: {  	[tilespmem:s4], [sflag:$0x3] =	stream.linear.gather [hbm4b:s7+s4], $0x1400, $0x38;
	[tilespmem:$0x1E800] =	vst v63  }
0x19: {  	_ =	swait.ge [sflag:s14], $0x1400  }
0x1a: {  	[sflag:s14] =	ssyncset.done $0x0  }
0x1b: {  	[sflag:s14] =	ssyncadd.s32 $0xFFFFEC00  }
0x1c: {  	[tilespmem:s15], [sflag:$0x3] =	stream.linear.gather [hbm4b:s8+s4], $0x1400, $0x38;
	[tilespmem:$0x1E800] =	vst v63  }
0x1d: {  	_ =	swait.ge [sflag:s14], $0x1400  }
0x1e: {  	[sflag:s14] =	ssyncset.done $0x0  }
0x1f: {  	[sflag:s14] =	ssyncadd.s32 $0xFFFFEC00  }
0x20: {  	[tilespmem:s17], [sflag:$0x1] =	stream.indirect.gather [hbm4b:s5+s16], $0x80, s4, s16, $0xb8;
	[tilespmem:$0x1E800] =	vst v63  }
0x21: {  	s25 =	simm.s32 $0x80  }
0x22: {  	[tilespmem:s18], [sflag:$0x2] =	stream.indirect.gather [hbm4b:s5+s16], $0x80, s25, s16, $0xb8;
	[tilespmem:$0x1E800] =	vst v63  }
0x23: {  	_ =	swait.ge [sflag:s19], $0x4000  }
0x24: {  	[sflag:s19] =	ssyncset.done $0x0  }
0x25: {  	s29 =	simm.s32 $0x1400;
	[sflag:s19] =	ssyncadd.s32 $0xFFFFC000  }
0x26: {  	[spmem:s2] =	stream.indirect.scatter.add.f32 [tilespmem:s17], [sflag:$0x3], $0x80, s29, s16, $0xb8;
	[tilespmem:$0x1E800] =	vst v63  }
0x27: {  	_ =	swait.ge [sflag:s14], $0x4000  }
0x28: {  	[sflag:s14] =	ssyncset.done $0x0  }
0x29: {  	s30 =	simm.s32 $0x100;
	[sflag:s14] =	ssyncadd.s32 $0xFFFFC000  }
0x2a: {  	[tilespmem:s17], [sflag:$0x1] =	stream.indirect.gather [hbm4b:s5+s16], $0x80, s30, s16, $0xb8;
	[tilespmem:$0x1E800] =	vst v63  }
0x2b: {  	_ =	swait.ge [sflag:s20], $0x4000  }
0x2c: {  	[sflag:s20] =	ssyncset.done $0x0  }
0x2d: {  	s31 =	simm.s32 $0x1480;
	[sflag:s20] =	ssyncadd.s32 $0xFFFFC000  }
0x2e: {  	[spmem:s2] =	stream.indirect.scatter.add.f32 [tilespmem:s18], [sflag:$0x3], $0x80, s31, s16, $0xb8;
	[tilespmem:$0x1E800] =	vst v63  }
0x2f: {  	_ =	swait.ge [sflag:s14], $0x4000  }
0x30: {  	s26 =	simm.s32 $0x800;
	s25 =	simm.s32 $0x100;
	[sflag:s14] =	ssyncset.done $0x0  }
.LBB2_2:
0x31: {  	s28 =	sadd.s32 $0x80, s25  }
0x32: {  	[sflag:s14] =	ssyncadd.s32 $0xFFFFC000;
	s29 =	smov.u32 s26;
	s30 =	sadd.s32 $0x400, s26  }
0x33: {  	[tilespmem:s18], [sflag:$0x2] =	stream.indirect.gather [hbm4b:s5+s16], $0x80, s28, s16, $0xb8;
	[tilespmem:$0x1E800] =	vst v63  }
0x34: {  	p0 =	sne.s32 s26, $0x4800;
	_ =	swait.ge [sflag:s19], $0x4000  }
0x35: {  	[sflag:s19] =	ssyncset.done $0x0  }
0x36: {  	s26 =	sadd.s32 $0x1400, s25;
	[sflag:s19] =	ssyncadd.s32 $0xFFFFC000  }
0x37: {  	[spmem:s2] =	stream.indirect.scatter.add.f32 [tilespmem:s17], [sflag:$0x3], $0x80, s26, s16, $0xb8;
	[tilespmem:$0x1E800] =	vst v63  }
0x38: {  	_ =	swait.ge [sflag:s14], $0x4000  }
0x39: {  	[sflag:s14] =	ssyncset.done $0x0  }
0x3a: {  	s26 =	sadd.s32 $0x100, s25;
	[sflag:s14] =	ssyncadd.s32 $0xFFFFC000  }
0x3b: {  	[tilespmem:s17], [sflag:$0x1] =	stream.indirect.gather [hbm4b:s5+s16], $0x80, s26, s16, $0xb8;
	[tilespmem:$0x1E800] =	vst v63  }
0x3c: {  	_ =	swait.ge [sflag:s20], $0x4000  }
.Ltmp0:
0x3d: {  	[sflag:s20] =	ssyncset.done $0x0;
	(pc) =	sbr.rel @p0 .LBB2_2-.Ltmp0, $4  }
0x3e: {  	s25 =	sadd.s32 $0x1480, s25;
	[sflag:s20] =	ssyncadd.s32 $0xFFFFC000  }
0x3f: {  	[spmem:s2] =	stream.indirect.scatter.add.f32 [tilespmem:s18], [sflag:$0x3], $0x80, s25, s16, $0xb8;
	[tilespmem:$0x1E800] =	vst v63  }
0x40: {  	_ =	swait.ge [sflag:s14], $0x4000  }
0x41: {  	s26 =	smov.u32 s30;
	s25 =	sshra.s32 s29, $0x2;
	[sflag:s14] =	ssyncset.done $0x0  }
0x42: {  	s26 =	sadd.s32 $0x80, s25;
	[sflag:s14] =	ssyncadd.s32 $0xFFFFC000  }
0x43: {  	[tilespmem:s18], [sflag:$0x2] =	stream.indirect.gather [hbm4b:s5+s16], $0x80, s26, s16, $0xb8;
	[tilespmem:$0x1E800] =	vst v63  }
0x44: {  	_ =	swait.ge [sflag:s19], $0x4000  }
0x45: {  	[sflag:s19] =	ssyncset.done $0x0  }
0x46: {  	s29 =	sadd.s32 $0x1400, s25;
	[sflag:s19] =	ssyncadd.s32 $0xFFFFC000  }
0x47: {  	[spmem:s2] =	stream.indirect.scatter.add.f32 [tilespmem:s17], [sflag:$0x3], $0x80, s29, s16, $0xb8;
	[tilespmem:$0x1E800] =	vst v63  }
0x48: {  	_ =	swait.ge [sflag:s14], $0x4000  }
0x49: {  	[sflag:s14] =	ssyncset.done $0x0  }
0x4a: {  	s30 =	sadd.s32 $0x100, s25;
	[sflag:s14] =	ssyncadd.s32 $0xFFFFC000  }
0x4b: {  	[tilespmem:s17], [sflag:$0x1] =	stream.indirect.gather [hbm4b:s5+s16], $0x80, s30, s16, $0xb8;
	[tilespmem:$0x1E800] =	vst v63  }
0x4c: {  	_ =	swait.ge [sflag:s20], $0x4000  }
0x4d: {  	[sflag:s20] =	ssyncset.done $0x0  }
0x4e: {  	s31 =	sadd.s32 $0x1480, s25;
	[sflag:s20] =	ssyncadd.s32 $0xFFFFC000  }
0x4f: {  	[spmem:s2] =	stream.indirect.scatter.add.f32 [tilespmem:s18], [sflag:$0x3], $0x80, s31, s16, $0xb8;
	[tilespmem:$0x1E800] =	vst v63  }
0x50: {  	_ =	swait.ge [sflag:s14], $0x4000  }
0x51: {  	[sflag:s14] =	ssyncset.done $0x0  }
0x52: {  	[sflag:s14] =	ssyncadd.s32 $0xFFFFC000  }
0x53: {  	[tilespmem:s18], [sflag:$0x2] =	stream.indirect.gather [hbm4b:s5+s16], $0x80, s21, s16, $0xb8;
	[tilespmem:$0x1E800] =	vst v63  }
0x54: {  	_ =	swait.ge [sflag:s19], $0x4000  }
0x55: {  	[sflag:s19] =	ssyncset.done $0x0  }
0x56: {  	[sflag:s19] =	ssyncadd.s32 $0xFFFFC000  }
0x57: {  	[spmem:s2] =	stream.indirect.scatter.add.f32 [tilespmem:s17], [sflag:$0x3], $0x80, s22, s16, $0xb8;
	[tilespmem:$0x1E800] =	vst v63  }
0x58: {  	_ =	swait.ge [sflag:s14], $0x4000  }
0x59: {  	[sflag:s14] =	ssyncset.done $0x0  }
0x5a: {  	[sflag:s14] =	ssyncadd.s32 $0xFFFFC000  }
0x5b: {  	_ =	swait.ge [sflag:s20], $0x4000  }
0x5c: {  	[sflag:s20] =	ssyncset.done $0x0  }
0x5d: {  	[sflag:s20] =	ssyncadd.s32 $0xFFFFC000  }
0x5e: {  	[spmem:s2] =	stream.indirect.scatter.add.f32 [tilespmem:s18], [sflag:$0x3], $0x80, s23, s16, $0xb8;
	[tilespmem:$0x1E800] =	vst v63  }
0x5f: {  	_ =	swait.ge [sflag:s14], $0x4000  }
0x60: {  	[sflag:s14] =	ssyncset.done $0x0  }
0x61: {  	s26 =	simm.s32 $0x0;
	[sflag:s14] =	ssyncadd.s32 $0xFFFFC000  }
0x62: {  	[tilespmem:s26], [sflag:$0x3] =	stream.linear.gather [hbm4b:s9+s26], $0x1400, $0x38;
	[tilespmem:$0x1E800] =	vst v63  }
0x63: {  	_ =	swait.ge [sflag:s14], $0x1400  }
0x64: {  	[sflag:s14] =	ssyncset.done $0x0  }
0x65: {  	[sflag:s14] =	ssyncadd.s32 $0xFFFFEC00  }
0x66: {  	[tilespmem:s15], [sflag:$0x3] =	stream.linear.gather [hbm4b:s10+s26], $0x1400, $0x38;
	[tilespmem:$0x1E800] =	vst v63  }
0x67: {  	_ =	swait.ge [sflag:s14], $0x1400  }
0x68: {  	[sflag:s14] =	ssyncset.done $0x0  }
0x69: {  	[sflag:s14] =	ssyncadd.s32 $0xFFFFEC00  }
0x6a: {  	[tilespmem:s17], [sflag:$0x1] =	stream.indirect.gather [hbm4b:s5+s16], $0x80, s26, s16, $0xb8;
	[tilespmem:$0x1E800] =	vst v63  }
0x6b: {  	s28 =	simm.s32 $0x80  }
0x6c: {  	[tilespmem:s18], [sflag:$0x2] =	stream.indirect.gather [hbm4b:s5+s16], $0x80, s28, s16, $0xb8;
	[tilespmem:$0x1E800] =	vst v63  }
0x6d: {  	_ =	swait.ge [sflag:s19], $0x4000  }
0x6e: {  	[sflag:s19] =	ssyncset.done $0x0  }
0x6f: {  	s29 =	simm.s32 $0x1400;
	[sflag:s19] =	ssyncadd.s32 $0xFFFFC000  }
0x70: {  	[spmem:s2] =	stream.indirect.scatter.add.f32 [tilespmem:s17], [sflag:$0x3], $0x80, s29, s16, $0xb8;
	[tilespmem:$0x1E800] =	vst v63  }
0x71: {  	_ =	swait.ge [sflag:s14], $0x4000  }
0x72: {  	[sflag:s14] =	ssyncset.done $0x0  }
0x73: {  	s30 =	simm.s32 $0x100;
	[sflag:s14] =	ssyncadd.s32 $0xFFFFC000  }
0x74: {  	[tilespmem:s17], [sflag:$0x1] =	stream.indirect.gather [hbm4b:s5+s16], $0x80, s30, s16, $0xb8;
	[tilespmem:$0x1E800] =	vst v63  }
0x75: {  	_ =	swait.ge [sflag:s20], $0x4000  }
0x76: {  	[sflag:s20] =	ssyncset.done $0x0  }
0x77: {  	s31 =	simm.s32 $0x1480;
	[sflag:s20] =	ssyncadd.s32 $0xFFFFC000  }
0x78: {  	[spmem:s2] =	stream.indirect.scatter.add.f32 [tilespmem:s18], [sflag:$0x3], $0x80, s31, s16, $0xb8;
	[tilespmem:$0x1E800] =	vst v63  }
0x79: {  	_ =	swait.ge [sflag:s14], $0x4000  }
0x7a: {  	s25 =	simm.s32 $0x100;
	s26 =	simm.s32 $0x800;
	[sflag:s14] =	ssyncset.done $0x0  }
.LBB2_4:
0x7b: {  	s28 =	sadd.s32 $0x80, s25  }
0x7c: {  	[sflag:s14] =	ssyncadd.s32 $0xFFFFC000;
	s29 =	smov.u32 s26;
	s30 =	sadd.s32 $0x400, s26  }
0x7d: {  	[tilespmem:s18], [sflag:$0x2] =	stream.indirect.gather [hbm4b:s5+s16], $0x80, s28, s16, $0xb8;
	[tilespmem:$0x1E800] =	vst v63  }
0x7e: {  	p0 =	sne.s32 s26, $0x4800;
	_ =	swait.ge [sflag:s19], $0x4000  }
0x7f: {  	[sflag:s19] =	ssyncset.done $0x0  }
0x80: {  	s26 =	sadd.s32 $0x1400, s25;
	[sflag:s19] =	ssyncadd.s32 $0xFFFFC000  }
0x81: {  	[spmem:s2] =	stream.indirect.scatter.add.f32 [tilespmem:s17], [sflag:$0x3], $0x80, s26, s16, $0xb8;
	[tilespmem:$0x1E800] =	vst v63  }
0x82: {  	_ =	swait.ge [sflag:s14], $0x4000  }
0x83: {  	[sflag:s14] =	ssyncset.done $0x0  }
0x84: {  	s26 =	sadd.s32 $0x100, s25;
	[sflag:s14] =	ssyncadd.s32 $0xFFFFC000  }
0x85: {  	[tilespmem:s17], [sflag:$0x1] =	stream.indirect.gather [hbm4b:s5+s16], $0x80, s26, s16, $0xb8;
	[tilespmem:$0x1E800] =	vst v63  }
0x86: {  	_ =	swait.ge [sflag:s20], $0x4000  }
.Ltmp1:
0x87: {  	[sflag:s20] =	ssyncset.done $0x0;
	(pc) =	sbr.rel @p0 .LBB2_4-.Ltmp1, $4  }
0x88: {  	s25 =	sadd.s32 $0x1480, s25;
	[sflag:s20] =	ssyncadd.s32 $0xFFFFC000  }
0x89: {  	[spmem:s2] =	stream.indirect.scatter.add.f32 [tilespmem:s18], [sflag:$0x3], $0x80, s25, s16, $0xb8;
	[tilespmem:$0x1E800] =	vst v63  }
0x8a: {  	_ =	swait.ge [sflag:s14], $0x4000  }
0x8b: {  	s26 =	smov.u32 s30;
	s25 =	sshra.s32 s29, $0x2;
	[sflag:s14] =	ssyncset.done $0x0  }
0x8c: {  	s26 =	sadd.s32 $0x80, s25;
	[sflag:s14] =	ssyncadd.s32 $0xFFFFC000  }
0x8d: {  	[tilespmem:s18], [sflag:$0x2] =	stream.indirect.gather [hbm4b:s5+s16], $0x80, s26, s16, $0xb8;
	[tilespmem:$0x1E800] =	vst v63  }
0x8e: {  	_ =	swait.ge [sflag:s19], $0x4000  }
0x8f: {  	[sflag:s19] =	ssyncset.done $0x0  }
0x90: {  	s29 =	sadd.s32 $0x1400, s25;
	[sflag:s19] =	ssyncadd.s32 $0xFFFFC000  }
0x91: {  	[spmem:s2] =	stream.indirect.scatter.add.f32 [tilespmem:s17], [sflag:$0x3], $0x80, s29, s16, $0xb8;
	[tilespmem:$0x1E800] =	vst v63  }
0x92: {  	_ =	swait.ge [sflag:s14], $0x4000  }
0x93: {  	[sflag:s14] =	ssyncset.done $0x0  }
0x94: {  	s30 =	sadd.s32 $0x100, s25;
	[sflag:s14] =	ssyncadd.s32 $0xFFFFC000  }
0x95: {  	[tilespmem:s17], [sflag:$0x1] =	stream.indirect.gather [hbm4b:s5+s16], $0x80, s30, s16, $0xb8;
	[tilespmem:$0x1E800] =	vst v63  }
0x96: {  	_ =	swait.ge [sflag:s20], $0x4000  }
0x97: {  	[sflag:s20] =	ssyncset.done $0x0  }
0x98: {  	s31 =	sadd.s32 $0x1480, s25;
	[sflag:s20] =	ssyncadd.s32 $0xFFFFC000  }
0x99: {  	[spmem:s2] =	stream.indirect.scatter.add.f32 [tilespmem:s18], [sflag:$0x3], $0x80, s31, s16, $0xb8;
	[tilespmem:$0x1E800] =	vst v63  }
0x9a: {  	_ =	swait.ge [sflag:s14], $0x4000  }
0x9b: {  	[sflag:s14] =	ssyncset.done $0x0  }
0x9c: {  	[sflag:s14] =	ssyncadd.s32 $0xFFFFC000  }
0x9d: {  	[tilespmem:s18], [sflag:$0x2] =	stream.indirect.gather [hbm4b:s5+s16], $0x80, s21, s16, $0xb8;
	[tilespmem:$0x1E800] =	vst v63  }
0x9e: {  	_ =	swait.ge [sflag:s19], $0x4000  }
0x9f: {  	[sflag:s19] =	ssyncset.done $0x0  }
0xa0: {  	[sflag:s19] =	ssyncadd.s32 $0xFFFFC000  }
0xa1: {  	[spmem:s2] =	stream.indirect.scatter.add.f32 [tilespmem:s17], [sflag:$0x3], $0x80, s22, s16, $0xb8;
	[tilespmem:$0x1E800] =	vst v63  }
0xa2: {  	_ =	swait.ge [sflag:s14], $0x4000  }
0xa3: {  	[sflag:s14] =	ssyncset.done $0x0  }
0xa4: {  	[sflag:s14] =	ssyncadd.s32 $0xFFFFC000  }
0xa5: {  	_ =	swait.ge [sflag:s20], $0x4000  }
0xa6: {  	[sflag:s20] =	ssyncset.done $0x0  }
0xa7: {  	[sflag:s20] =	ssyncadd.s32 $0xFFFFC000  }
0xa8: {  	[spmem:s2] =	stream.indirect.scatter.add.f32 [tilespmem:s18], [sflag:$0x3], $0x80, s23, s16, $0xb8;
	[tilespmem:$0x1E800] =	vst v63  }
0xa9: {  	_ =	swait.ge [sflag:s14], $0x4000  }
0xaa: {  	s24 =	sadd.s32 $0x1, s24;
	[sflag:s14] =	ssyncset.done $0x0  }
0xab: {  	p0 =	sne.s32 s24, s12;
	[sflag:s14] =	ssyncadd.s32 $0xFFFFC000  }
.Ltmp2:
0xac: {  	[bflag:$0x0] =	sbarrier.arrive $0xFFFF;
	(pc) =	sbr.rel @p0 .LBB2_1-.Ltmp2, $4  }
0xad: {  	[hbm:s11], [sflag:s6] =	dma.local [spmem:s13], $0x2800  }
0xae: {  	_ =	swait.ge [sflag:s14], $0x2800  }
0xaf: {  	[sflag:s14] =	ssyncset.done $0x0  }
0xb0: {  	[sflag:s14] =	ssyncadd.s32 $0xFFFFD800  }
0xb1: {  	_ =	sfence.sel $0x180000  }
0xb2: {  	[bflag:$0x0] =	sbarrier.arrive $0xFFFF  }
0xb3: {  	p0 =	sne.s32 s3, $0x0;
	_ =	strace $0x9000004A  }
0xb4: {  	s0 =	sadd.s32 @!p0 $0x100000, s0;
	[bflag:$0x2] =	sbarrier.arrive $0xFFFF  }
0xb5: {  	[sflag:s0] =	ssyncadd.tile.s32 @!p0 $0x1;
	_ =	shalt  }
.Lfunc_end2:
_tile_overlayer_lowered:
.L_overlay_start_2:
0xb6: {  	(tag) =	ssettag $0x2  }
0xb7: {  	s0 =	rddreg [dreg:$0x0];
	s2 =	stileid.u32  }
0xb8: {  	s1 =	rddreg [dreg:$0x1];
	p0 =	sne.s32 s2, $0x0  }
0xb9: {  	s3 =	rddreg [dreg:$0x2];
	[bflag:$0x3] =	sbarrier.arrive $0xFFFF;
	s2 =	simm.s32 @!p0 $0x1C03  }
0xba: {  	[timem:s3], [sflag:s2] =	dma.local @!p0 [hbm:s0], s1  }
0xbb: {  	s0 =	simm.s32 @!p0 $0x3  }
0xbc: {  	_ =	swait.ge @!p0 [sflag:s0], s1  }
0xbd: {  	s1 =	ssub.s32 @!p0 $0x0, s1;
	[sflag:s0] =	ssyncset.done @!p0 $0x0  }
0xbe: {  	[sflag:s0] =	ssyncadd.s32 @!p0 s1  }
0xbf: {  	[bflag:$0x3] =	sbarrier.arrive $0xFFFF  }
0xc0: {  	_ =	shalt  }

// kernel: kernel.14.cloned.1.call-start
scs
__scs_entry_jumppad:
0x0: {  	(pc) =	sbr.rel $0x88, $3  }
0x1: {  	(tag) =	ssettag $0x0;
	lr =	simm.s32 $0x1  }
0x2: {  	[smem:$0x3F99] =	sst lr;
	_ =	strace $0xD0000000  }
0x3: {  	_ = 	snop  }
0x4: {  	_ = 	snop  }
0x5: {  	_ = 	snop  }
0x6: {  	_ = 	snop  }
0x7: {  	_ = 	snop  }
__scs_overlays_trampoline_lowered:
0x8: {  	[smem:$0x3FA8] =	sst s0  }
0x9: {  	[smem:$0x3FA9] =	sst s1  }
0xa: {  	[smem:$0x3FAA] =	sst s2  }
0xb: {  	[smem:$0x3FAB] =	sst s3  }
0xc: {  	[smem:$0x3FAC] =	sst s4  }
0xd: {  	[smem:$0x3FAD] =	sst s5  }
0xe: {  	[smem:$0x3FAE] =	sst s6  }
0xf: {  	[smem:$0x3FAF] =	sst s7  }
0x10: {  	[smem:$0x3FB0] =	sst s8  }
0x11: {  	[smem:$0x3FB1] =	sst s9;
	s0 =	simm.s32 @!p0 $0x0  }
0x12: {  	s1 =	sld [smem:$0x3F97];
	s0 =	simm.s32 @p0 $0x1  }
0x13: {  	[smem:$0x3FB2] =	sst s0;
	s0 =	simm.s32 @!p1 $0x0  }
0x14: {  	s2 =	sld [smem:$0x3F96];
	s0 =	simm.s32 @p1 $0x1  }
0x15: {  	[smem:$0x3FB3] =	sst s0;
	s0 =	simm.s32 @!p2 $0x0  }
0x16: {  	s3 =	sld [smem:$0x3FDB];
	s0 =	simm.s32 @p2 $0x1  }
0x17: {  	s4 =	simm.s32 $0x1BF5;
	[smem:$0x3FB5] =	sst s0  }
0x18: {  	s0 =	sld [smem:$0x3F98];
	_ =	swait.ge [sflag:s4], $0x0  }
0x19: {  	s7 =	sld [smem:$0x3F99]  }
0x1a: {  	s8 =	sadd.s32 $0xFFFFE003, lr  }
0x1b: {  	s9 =	sadd.s32 $0xFFFFFEF7, lr;
	s5 =	simm.s32 $0xFFFFFFFF;
	p2 =	slt.u32 s8, $0xFFFFF086  }
0x1c: {  	p1 =	slt.u32 s9, $0xF7A;
	s5 =	simm.s32 @!p2 $0x0  }
0x1d: {  	s5 =	simm.s32 @p1 $0x1;
	p0 =	seq.s32 s7, s2  }
0x1e: {  	s7 =	smul.u32 @!p0 $0xF7A, s2;
	p2 =	seq.s32 @!p0 s5, $0x0  }
0x1f: {  	s9 =	smul.u32 $0xF7A, s1;
	s8 =	simm.s32 @!p0 $0x1BF5;
	p2 =	por !p2, p0  }
0x20: {  	[sflag:s8] =	ssyncset.s32 @!p0 $0xFFFFF086;
	s6 =	sadd.s32 @!p0 s3, s7;
	s7 =	simm.s32 @!p0 $0x108  }
0x21: {  	s3 =	sadd.s32 s3, s9;
	s6 =	sadd.s32 @!p0 $0x88, s6;
	s7 =	simm.s32 @p2 $0x1082  }
0x22: {  	[simem:s7], [sflag:s8] =	dma.local @!p0 [hbm:s6], $0xF7A  }
0x23: {  	s9 =	sor.u32 $0xD0000000, s2;
	s6 =	simm.s32 $0x108;
	_ =	swait.ge @!p0 [sflag:s8], $0x0  }
0x24: {  	s3 =	sadd.s32 $0x88, s3;
	s6 =	simm.s32 @!p1 $0x1082;
	[sflag:s4] =	ssyncset.s32 $0xFFFFF086  }
0x25: {  	[simem:s6], [sflag:s4] =	dma.local [hbm:s3], $0xF7A  }
0x26: {  	[smem:$0x3F99] =	sst s1;
	(tag) =	ssettag s2;
	_ =	strace s9  }
0x27: {  	s1 =	sld [smem:$0x3FA9]  }
0x28: {  	s2 =	sld [smem:$0x3FAA]  }
0x29: {  	s4 =	sld [smem:$0x3FAC]  }
0x2a: {  	p0 =	seq.s32 s5, $0x0;
	s5 =	sld [smem:$0x3FAD]  }
0x2b: {  	s6 =	sld [smem:$0x3FAE]  }
0x2c: {  	s7 =	sld [smem:$0x3FAF]  }
0x2d: {  	s3 =	simm.s32 $0x108;
	s8 =	sld [smem:$0x3FB0]  }
0x2e: {  	s3 =	simm.s32 @!p0 $0x1082;
	s9 =	sld [smem:$0x3FB1]  }
0x2f: {  	lr =	sadd.s32 s0, s3;
	s0 =	sld [smem:$0x3FA8]  }
0x30: {  	s3 =	sld [smem:$0x3FAB]  }
0x31: {  	[smem:$0x3FB4] =	sst s10  }
0x32: {  	s10 =	sld [smem:$0x3FB2];
	_ =	sdelay $0x3  }
0x33: {  	p0 =	seq.s32 s10, $0x1;
	s10 =	sld [smem:$0x3FB4];
	_ =	sdelay $0x3  }
0x34: {  	[smem:$0x3FB4] =	sst s10  }
0x35: {  	s10 =	sld [smem:$0x3FB3];
	_ =	sdelay $0x3  }
0x36: {  	p1 =	seq.s32 s10, $0x1;
	s10 =	sld [smem:$0x3FB4];
	_ =	sdelay $0x3  }
0x37: {  	[smem:$0x3FB4] =	sst s10  }
0x38: {  	s10 =	sld [smem:$0x3FB5]  }
0x39: {  	_ = 	snop;
	(pc) =	sbr.ind lr, $3  }
0x3a: {  	_ = 	snop  }
0x3b: {  	_ = 	snop  }
0x3c: {  	p2 =	seq.s32 s10, $0x1;
	s10 =	sld [smem:$0x3FB4]  }
0x3d: {  	_ =	shalt  }
0x3e: {  	_ =	shalt  }
0x3f: {  	_ =	shalt  }
0x40: {  	_ =	shalt  }
0x41: {  	_ =	shalt  }
0x42: {  	_ =	shalt  }
0x43: {  	_ =	shalt  }
0x44: {  	_ =	shalt  }
0x45: {  	_ =	shalt  }
0x46: {  	_ =	shalt  }
0x47: {  	_ =	shalt  }
0x48: {  	_ =	shalt  }
0x49: {  	_ =	shalt  }
0x4a: {  	_ =	shalt  }
0x4b: {  	_ =	shalt  }
0x4c: {  	_ =	shalt  }
0x4d: {  	_ =	shalt  }
0x4e: {  	_ =	shalt  }
0x4f: {  	_ =	shalt  }
0x50: {  	_ =	shalt  }
0x51: {  	_ =	shalt  }
0x52: {  	_ =	shalt  }
0x53: {  	_ =	shalt  }
0x54: {  	_ =	shalt  }
0x55: {  	_ =	shalt  }
0x56: {  	_ =	shalt  }
0x57: {  	_ =	shalt  }
0x58: {  	_ =	shalt  }
0x59: {  	_ =	shalt  }
0x5a: {  	_ =	shalt  }
0x5b: {  	_ =	shalt  }
0x5c: {  	_ =	shalt  }
0x5d: {  	_ =	shalt  }
0x5e: {  	_ =	shalt  }
0x5f: {  	_ =	shalt  }
0x60: {  	_ =	shalt  }
0x61: {  	_ =	shalt  }
0x62: {  	_ =	shalt  }
0x63: {  	_ =	shalt  }
0x64: {  	_ =	shalt  }
0x65: {  	_ =	shalt  }
0x66: {  	_ =	shalt  }
0x67: {  	_ =	shalt  }
0x68: {  	_ =	shalt  }
0x69: {  	_ =	shalt  }
0x6a: {  	_ =	shalt  }
0x6b: {  	_ =	shalt  }
0x6c: {  	_ =	shalt  }
0x6d: {  	_ =	shalt  }
0x6e: {  	_ =	shalt  }
0x6f: {  	_ =	shalt  }
0x70: {  	_ =	shalt  }
0x71: {  	_ =	shalt  }
0x72: {  	_ =	shalt  }
0x73: {  	_ =	shalt  }
0x74: {  	_ =	shalt  }
0x75: {  	_ =	shalt  }
0x76: {  	_ =	shalt  }
0x77: {  	_ =	shalt  }
0x78: {  	_ =	shalt  }
0x79: {  	_ =	shalt  }
0x7a: {  	_ =	shalt  }
0x7b: {  	_ =	shalt  }
0x7c: {  	_ =	shalt  }
0x7d: {  	_ =	shalt  }
0x7e: {  	_ =	shalt  }
0x7f: {  	_ =	shalt  }
0x80: {  	_ =	shalt  }
0x81: {  	_ =	shalt  }
0x82: {  	_ =	shalt  }
0x83: {  	_ =	shalt  }
0x84: {  	_ =	shalt  }
0x85: {  	_ =	shalt  }
0x86: {  	_ =	shalt  }
0x87: {  	_ =	shalt  }
.Lfunc_end0:
.L_simem_size_0:
called_computation.2_lowered:
.L_overlay_start_0:
0x88: {  	s2 =	sld [smem:$0x3FD9]  }
0x89: {  	s3 =	sld [smem:$0x3FFE];
	_ =	sdelay $0x1  }
0x8a: {  	s1 =	srdreg.scid  }
0x8b: {  	s0 =	sand.u32 $0x1, s1  }
0x8c: {  	s17 =	sshll.u32 s0, $0xA;
	s2 =	sadd.s32 s3, s2  }
0x8d: {  	s2 =	sadd.s32 s2, s17  }
0x8e: {  	[smem:$0x3FC0] =	sst s2  }
0x8f: {  	_ = 	snop  }
0x90: {  	s2 =	sld [smem:$0x3FD0];
	(tm) =	ssettm $0x1  }
0x91: {  	s18 =	sld [smem:$0x3FFB];
	_ =	sdelay $0x3  }
0x92: {  	_ =	strace s18  }
0x93: {  	s3 =	sld [smem:$0x3FFC];
	_ =	sdelay $0x3  }
0x94: {  	_ =	strace s3  }
0x95: {  	s3 =	sld [smem:$0x3FFD];
	_ =	sdelay $0x3  }
0x96: {  	_ =	strace s3  }
0x97: {  	_ =	strace $0x8FFFFFFF  }
0x98: {  	s19 =	sld [smem:$0x3FDB];
	_ =	sdelay $0x1  }
0x99: {  	s4 =	simm.s32 $_scs_section_size  }
0x9a: {  	s5 =	simm.s32 $_size__tile_overlayer_lowered;
	s6 =	simm.s32 $_tile_overlayer_lowered  }
0x9b: {  	s22 =	simm.s32 $0x1BFF;
	s21 =	sshll.u32 s6, $0x1;
	s3 =	sadd.s32 s4, s19  }
0x9c: {  	s7 =	simm.s32 $0x0;
	s20 =	sshll.u32 s5, $0x1;
	s5 =	sadd.s32 s21, s3  }
0x9d: {  	[timem:s7], [sflag:s22] =	dma.local [hbm:s5], s20  }
0x9e: {  	_ =	swait.ge [sflag:s22], s20  }
0x9f: {  	s4 =	ssub.s32 $0x0, s20;
	[sflag:s22] =	ssyncset.done $0x0  }
0xa0: {  	[sflag:s22] =	ssyncadd.s32 s4;
	_ =	sdelay $0x1  }
0xa1: {  	s23 =	simm.s32 $0x1B8B  }
0xa2: {  	_ =	swait.ge [sflag:s23], $0x1  }
0xa3: {  	[sflag:s23] =	ssyncset.done $0x0  }
0xa4: {  	s25 =	simm.s32 $0x1B8E;
	s24 =	sld [smem:$0x3FFE];
	[sflag:s23] =	ssyncadd.s32 $0xFFFFFFFF  }
0xa5: {  	s26 =	simm.s32 $execute0_lowered;
	[smem:$0x3FD2] =	sst s25  }
0xa6: {  	s5 =	sshll.u32 s26, $0x1;
	_ =	strace $0x8000004C;
	[dreg:$0x1] =	wrdreg $0xFFFFFFFF  }
0xa7: {  	s28 =	simm.s32 $_size_execute0_lowered;
	s3 =	sadd.s32 s3, s5;
	[dreg:$0x0] =	wrdreg $0x0  }
0xa8: {  	s5 =	sshll.u32 s28, $0x1;
	[dreg:$0x2] =	wrdreg s3  }
0xa9: {  	[dreg:$0x3] =	wrdreg s5  }
0xaa: {  	[dreg:$0x4] =	wrdreg $0xC0  }
0xab: {  	_ =	task [dreg:s7], $0x5FFFF  }
0xac: {  	[dreg:$0x1] =	wrdreg $0xFFFFFFFF  }
0xad: {  	[dreg:$0x0] =	wrdreg $0x60  }
0xae: {  	[dreg:$0x2] =	wrdreg s24  }
0xaf: {  	[dreg:$0x3] =	wrdreg s2  }
0xb0: {  	[dreg:$0x4] =	wrdreg $0xA8000  }
0xb1: {  	[dreg:$0x5] =	wrdreg $0x9  }
0xb2: {  	_ =	task.clear_ibuf [dreg:s7], $0x6FFFF;
	_ =	strace $0x9000004C  }
0xb3: {  	s29 =	simm.s32 $0x9;
	_ =	strace $0x8000004E  }
0xb4: {  	_ =	swait.ge [sflag:s29], $0x1  }
0xb5: {  	[sflag:s29] =	ssyncadd.s32 $0xFFFFFFFF  }
0xb6: {  	_ =	strace $0x9000004E  }
0xb7: {  	_ =	sfence  }
0xb8: {  	s30 =	sld [smem:$0x0];
	_ =	sdelay $0x2  }
0xb9: {  	s31 =	sshll.u32 s1, $0xD;
	s1 =	sshrl.u32 s1, $0x2  }
0xba: {  	s3 =	sand.u32 $0x4000, s31;
	s1 =	sadd.s32 s1, s30  }
0xbb: {  	s0 =	sor.u32 s3, s0;
	s1 =	sshll.u32 s1, $0x11  }
0xbc: {  	s0 =	sor.u32 s1, s0  }
0xbd: {  	s0 =	sadd.s32 $0x8F2B, s0  }
0xbe: {  	[sflag:s0] =	ssyncadd.remote.s32 $0x1  }
0xbf: {  	_ =	sfence.sel $0xFFFF  }
0xc0: {  	[dreg:$0x0] =	wrdreg $0xFFFFFFFF;
	(pc) =	sbr.abs _section_cstart, $3  }
0xc1: {  	[dreg:$0x1] =	wrdreg $0xFFFFFFFF  }
0xc2: {  	_ =	task.clear_ibuf [dreg:s7], $0x2FFFF;
	_ =	strace $0x9FFFFFFF  }
0xc3: {  	(tm) =	ssettm $0x7FFFFFFF  }
tec
execute0_lowered:
.L_overlay_start_1:
0x0: {  	(tag) =	ssettag $0x1  }
0x1: {  	s6 =	rddreg [dreg:$0x0]  }
0x2: {  	s1 =	rddreg [dreg:$0x1]  }
0x3: {  	s2 =	rddreg [dreg:$0x2];
	s3 =	srdreg.scid  }
0x4: {  	s0 =	rddreg [dreg:$0x3];
	s4 =	simm.s32 $0x0;
	s16 =	simm.s32 $0x80  }
0x5: {  	s17 =	simm.s32 $0x2800;
	s18 =	simm.s32 $0x6800;
	s19 =	simm.s32 $0x1  }
0x6: {  	s20 =	simm.s32 $0x2;
	s21 =	simm.s32 $0x1380;
	s22 =	simm.s32 $0x2700  }
0x7: {  	s23 =	simm.s32 $0x2780;
	s24 =	simm.s32 $0x0;
	s7 =	sand.u32 $0x1, s3  }
0x8: {  	s3 =	stileid.u32;
	[smem:$0x7FF] =	sst s4;
	s5 =	sadd.s32 $0x16A00, s6  }
0x9: {  	s10 =	sadd.s32 $0xCA00, s6;
	s13 =	sadd.s32 $0x2A00, s6;
	s8 =	smul.u32 $0x140000, s7  }
0xa: {  	s9 =	smul.u32 $0x14000, s3;
	_ =	strace $0x8000004D;
	s26 =	sshll.u32 s7, $0x4  }
0xb: {  	s7 =	ssub.s32 $0x2, s7;
	s11 =	smul.u32 $0x50000, s3;
	s29 =	sshll.u32 s3, $0x6  }
0xc: {  	s12 =	sshrl.u32 s7, $0x1;
	s8 =	sadd.s32 s9, s8;
	s9 =	sor.u32 s3, s26  }
0xd: {  	s12 =	ssub.s32 s7, s12;
	s28 =	sshrl.u32 s11, $0x2;
	s9 =	smul.u32 $0x2800, s9  }
0xe: {  	s8 =	sshrl.u32 s8, $0x3;
	s15 =	sadd.s32 s28, s2;
	s12 =	smax.u32 s12, $0x1  }
0xf: {  	s14 =	sadd.s32 s8, s6;
	s6 =	sor.u32 $0x1C03, s29;
	s30 =	sshrl.u32 s9, $0x3  }
0x10: {  	s11 =	sadd.s32 $0x3EA00, s14;
	s14 =	simm.s32 $0x3;
	s31 =	sadd.s32 $0x280, s30  }
0x11: {  	s7 =	sadd.s32 s10, s30;
	s8 =	sadd.s32 s13, s30;
	s9 =	sadd.s32 s10, s31  }
0x12: {  	s10 =	sadd.s32 s13, s31;
	s13 =	sshrl.u32 s15, $0x3;
	s15 =	simm.s32 $0x1400  }
.LBB2_1:
0x13: {  	[spmem:s13], [sflag:s6] =	dma.local [hbm:s1], $0x2800  }
0x14: {  	_ =	swait.ge [sflag:s14], $0x2800  }
0x15: {  	[sflag:s14] =	ssyncset.done $0x0  }
0x16: {  	[sflag:s14] =	ssyncadd.s32 $0xFFFFD800  }
0x17: {  	[bflag:$0x0] =	sbarrier.arrive $0xFFFF  }
0x18: {  	[tilespmem:s4], [sflag:$0x3] =	stream.linear.gather [hbm4b:s7+s4], $0x1400, $0x38;
	[tilespmem:$0x1E800] =	vst v63  }
0x19: {  	_ =	swait.ge [sflag:s14], $0x1400  }
0x1a: {  	[sflag:s14] =	ssyncset.done $0x0  }
0x1b: {  	[sflag:s14] =	ssyncadd.s32 $0xFFFFEC00  }
0x1c: {  	[tilespmem:s15], [sflag:$0x3] =	stream.linear.gather [hbm4b:s8+s4], $0x1400, $0x38;
	[tilespmem:$0x1E800] =	vst v63  }
0x1d: {  	_ =	swait.ge [sflag:s14], $0x1400  }
0x1e: {  	[sflag:s14] =	ssyncset.done $0x0  }
0x1f: {  	[sflag:s14] =	ssyncadd.s32 $0xFFFFEC00  }
0x20: {  	[tilespmem:s17], [sflag:$0x1] =	stream.indirect.gather [hbm4b:s5+s16], $0x80, s4, s16, $0xb8;
	[tilespmem:$0x1E800] =	vst v63  }
0x21: {  	s25 =	simm.s32 $0x80  }
0x22: {  	[tilespmem:s18], [sflag:$0x2] =	stream.indirect.gather [hbm4b:s5+s16], $0x80, s25, s16, $0xb8;
	[tilespmem:$0x1E800] =	vst v63  }
0x23: {  	_ =	swait.ge [sflag:s19], $0x4000  }
0x24: {  	[sflag:s19] =	ssyncset.done $0x0  }
0x25: {  	s29 =	simm.s32 $0x1400;
	[sflag:s19] =	ssyncadd.s32 $0xFFFFC000  }
0x26: {  	[spmem:s2] =	stream.indirect.scatter.add.f32 [tilespmem:s17], [sflag:$0x3], $0x80, s29, s16, $0xb8;
	[tilespmem:$0x1E800] =	vst v63  }
0x27: {  	_ =	swait.ge [sflag:s14], $0x4000  }
0x28: {  	[sflag:s14] =	ssyncset.done $0x0  }
0x29: {  	s30 =	simm.s32 $0x100;
	[sflag:s14] =	ssyncadd.s32 $0xFFFFC000  }
0x2a: {  	[tilespmem:s17], [sflag:$0x1] =	stream.indirect.gather [hbm4b:s5+s16], $0x80, s30, s16, $0xb8;
	[tilespmem:$0x1E800] =	vst v63  }
0x2b: {  	_ =	swait.ge [sflag:s20], $0x4000  }
0x2c: {  	[sflag:s20] =	ssyncset.done $0x0  }
0x2d: {  	s31 =	simm.s32 $0x1480;
	[sflag:s20] =	ssyncadd.s32 $0xFFFFC000  }
0x2e: {  	[spmem:s2] =	stream.indirect.scatter.add.f32 [tilespmem:s18], [sflag:$0x3], $0x80, s31, s16, $0xb8;
	[tilespmem:$0x1E800] =	vst v63  }
0x2f: {  	_ =	swait.ge [sflag:s14], $0x4000  }
0x30: {  	s26 =	simm.s32 $0x800;
	s25 =	simm.s32 $0x100;
	[sflag:s14] =	ssyncset.done $0x0  }
.LBB2_2:
0x31: {  	s28 =	sadd.s32 $0x80, s25  }
0x32: {  	[sflag:s14] =	ssyncadd.s32 $0xFFFFC000;
	s29 =	smov.u32 s26;
	s30 =	sadd.s32 $0x400, s26  }
0x33: {  	[tilespmem:s18], [sflag:$0x2] =	stream.indirect.gather [hbm4b:s5+s16], $0x80, s28, s16, $0xb8;
	[tilespmem:$0x1E800] =	vst v63  }
0x34: {  	p0 =	sne.s32 s26, $0x4800;
	_ =	swait.ge [sflag:s19], $0x4000  }
0x35: {  	[sflag:s19] =	ssyncset.done $0x0  }
0x36: {  	s26 =	sadd.s32 $0x1400, s25;
	[sflag:s19] =	ssyncadd.s32 $0xFFFFC000  }
0x37: {  	[spmem:s2] =	stream.indirect.scatter.add.f32 [tilespmem:s17], [sflag:$0x3], $0x80, s26, s16, $0xb8;
	[tilespmem:$0x1E800] =	vst v63  }
0x38: {  	_ =	swait.ge [sflag:s14], $0x4000  }
0x39: {  	[sflag:s14] =	ssyncset.done $0x0  }
0x3a: {  	s26 =	sadd.s32 $0x100, s25;
	[sflag:s14] =	ssyncadd.s32 $0xFFFFC000  }
0x3b: {  	[tilespmem:s17], [sflag:$0x1] =	stream.indirect.gather [hbm4b:s5+s16], $0x80, s26, s16, $0xb8;
	[tilespmem:$0x1E800] =	vst v63  }
0x3c: {  	_ =	swait.ge [sflag:s20], $0x4000  }
.Ltmp0:
0x3d: {  	[sflag:s20] =	ssyncset.done $0x0;
	(pc) =	sbr.rel @p0 .LBB2_2-.Ltmp0, $4  }
0x3e: {  	s25 =	sadd.s32 $0x1480, s25;
	[sflag:s20] =	ssyncadd.s32 $0xFFFFC000  }
0x3f: {  	[spmem:s2] =	stream.indirect.scatter.add.f32 [tilespmem:s18], [sflag:$0x3], $0x80, s25, s16, $0xb8;
	[tilespmem:$0x1E800] =	vst v63  }
0x40: {  	_ =	swait.ge [sflag:s14], $0x4000  }
0x41: {  	s26 =	smov.u32 s30;
	s25 =	sshra.s32 s29, $0x2;
	[sflag:s14] =	ssyncset.done $0x0  }
0x42: {  	s26 =	sadd.s32 $0x80, s25;
	[sflag:s14] =	ssyncadd.s32 $0xFFFFC000  }
0x43: {  	[tilespmem:s18], [sflag:$0x2] =	stream.indirect.gather [hbm4b:s5+s16], $0x80, s26, s16, $0xb8;
	[tilespmem:$0x1E800] =	vst v63  }
0x44: {  	_ =	swait.ge [sflag:s19], $0x4000  }
0x45: {  	[sflag:s19] =	ssyncset.done $0x0  }
0x46: {  	s29 =	sadd.s32 $0x1400, s25;
	[sflag:s19] =	ssyncadd.s32 $0xFFFFC000  }
0x47: {  	[spmem:s2] =	stream.indirect.scatter.add.f32 [tilespmem:s17], [sflag:$0x3], $0x80, s29, s16, $0xb8;
	[tilespmem:$0x1E800] =	vst v63  }
0x48: {  	_ =	swait.ge [sflag:s14], $0x4000  }
0x49: {  	[sflag:s14] =	ssyncset.done $0x0  }
0x4a: {  	s30 =	sadd.s32 $0x100, s25;
	[sflag:s14] =	ssyncadd.s32 $0xFFFFC000  }
0x4b: {  	[tilespmem:s17], [sflag:$0x1] =	stream.indirect.gather [hbm4b:s5+s16], $0x80, s30, s16, $0xb8;
	[tilespmem:$0x1E800] =	vst v63  }
0x4c: {  	_ =	swait.ge [sflag:s20], $0x4000  }
0x4d: {  	[sflag:s20] =	ssyncset.done $0x0  }
0x4e: {  	s31 =	sadd.s32 $0x1480, s25;
	[sflag:s20] =	ssyncadd.s32 $0xFFFFC000  }
0x4f: {  	[spmem:s2] =	stream.indirect.scatter.add.f32 [tilespmem:s18], [sflag:$0x3], $0x80, s31, s16, $0xb8;
	[tilespmem:$0x1E800] =	vst v63  }
0x50: {  	_ =	swait.ge [sflag:s14], $0x4000  }
0x51: {  	[sflag:s14] =	ssyncset.done $0x0  }
0x52: {  	[sflag:s14] =	ssyncadd.s32 $0xFFFFC000  }
0x53: {  	[tilespmem:s18], [sflag:$0x2] =	stream.indirect.gather [hbm4b:s5+s16], $0x80, s21, s16, $0xb8;
	[tilespmem:$0x1E800] =	vst v63  }
0x54: {  	_ =	swait.ge [sflag:s19], $0x4000  }
0x55: {  	[sflag:s19] =	ssyncset.done $0x0  }
0x56: {  	[sflag:s19] =	ssyncadd.s32 $0xFFFFC000  }
0x57: {  	[spmem:s2] =	stream.indirect.scatter.add.f32 [tilespmem:s17], [sflag:$0x3], $0x80, s22, s16, $0xb8;
	[tilespmem:$0x1E800] =	vst v63  }
0x58: {  	_ =	swait.ge [sflag:s14], $0x4000  }
0x59: {  	[sflag:s14] =	ssyncset.done $0x0  }
0x5a: {  	[sflag:s14] =	ssyncadd.s32 $0xFFFFC000  }
0x5b: {  	_ =	swait.ge [sflag:s20], $0x4000  }
0x5c: {  	[sflag:s20] =	ssyncset.done $0x0  }
0x5d: {  	[sflag:s20] =	ssyncadd.s32 $0xFFFFC000  }
0x5e: {  	[spmem:s2] =	stream.indirect.scatter.add.f32 [tilespmem:s18], [sflag:$0x3], $0x80, s23, s16, $0xb8;
	[tilespmem:$0x1E800] =	vst v63  }
0x5f: {  	_ =	swait.ge [sflag:s14], $0x4000  }
0x60: {  	[sflag:s14] =	ssyncset.done $0x0  }
0x61: {  	s26 =	simm.s32 $0x0;
	[sflag:s14] =	ssyncadd.s32 $0xFFFFC000  }
0x62: {  	[tilespmem:s26], [sflag:$0x3] =	stream.linear.gather [hbm4b:s9+s26], $0x1400, $0x38;
	[tilespmem:$0x1E800] =	vst v63  }
0x63: {  	_ =	swait.ge [sflag:s14], $0x1400  }
0x64: {  	[sflag:s14] =	ssyncset.done $0x0  }
0x65: {  	[sflag:s14] =	ssyncadd.s32 $0xFFFFEC00  }
0x66: {  	[tilespmem:s15], [sflag:$0x3] =	stream.linear.gather [hbm4b:s10+s26], $0x1400, $0x38;
	[tilespmem:$0x1E800] =	vst v63  }
0x67: {  	_ =	swait.ge [sflag:s14], $0x1400  }
0x68: {  	[sflag:s14] =	ssyncset.done $0x0  }
0x69: {  	[sflag:s14] =	ssyncadd.s32 $0xFFFFEC00  }
0x6a: {  	[tilespmem:s17], [sflag:$0x1] =	stream.indirect.gather [hbm4b:s5+s16], $0x80, s26, s16, $0xb8;
	[tilespmem:$0x1E800] =	vst v63  }
0x6b: {  	s28 =	simm.s32 $0x80  }
0x6c: {  	[tilespmem:s18], [sflag:$0x2] =	stream.indirect.gather [hbm4b:s5+s16], $0x80, s28, s16, $0xb8;
	[tilespmem:$0x1E800] =	vst v63  }
0x6d: {  	_ =	swait.ge [sflag:s19], $0x4000  }
0x6e: {  	[sflag:s19] =	ssyncset.done $0x0  }
0x6f: {  	s29 =	simm.s32 $0x1400;
	[sflag:s19] =	ssyncadd.s32 $0xFFFFC000  }
0x70: {  	[spmem:s2] =	stream.indirect.scatter.add.f32 [tilespmem:s17], [sflag:$0x3], $0x80, s29, s16, $0xb8;
	[tilespmem:$0x1E800] =	vst v63  }
0x71: {  	_ =	swait.ge [sflag:s14], $0x4000  }
0x72: {  	[sflag:s14] =	ssyncset.done $0x0  }
0x73: {  	s30 =	simm.s32 $0x100;
	[sflag:s14] =	ssyncadd.s32 $0xFFFFC000  }
0x74: {  	[tilespmem:s17], [sflag:$0x1] =	stream.indirect.gather [hbm4b:s5+s16], $0x80, s30, s16, $0xb8;
	[tilespmem:$0x1E800] =	vst v63  }
0x75: {  	_ =	swait.ge [sflag:s20], $0x4000  }
0x76: {  	[sflag:s20] =	ssyncset.done $0x0  }
0x77: {  	s31 =	simm.s32 $0x1480;
	[sflag:s20] =	ssyncadd.s32 $0xFFFFC000  }
0x78: {  	[spmem:s2] =	stream.indirect.scatter.add.f32 [tilespmem:s18], [sflag:$0x3], $0x80, s31, s16, $0xb8;
	[tilespmem:$0x1E800] =	vst v63  }
0x79: {  	_ =	swait.ge [sflag:s14], $0x4000  }
0x7a: {  	s25 =	simm.s32 $0x100;
	s26 =	simm.s32 $0x800;
	[sflag:s14] =	ssyncset.done $0x0  }
.LBB2_4:
0x7b: {  	s28 =	sadd.s32 $0x80, s25  }
0x7c: {  	[sflag:s14] =	ssyncadd.s32 $0xFFFFC000;
	s29 =	smov.u32 s26;
	s30 =	sadd.s32 $0x400, s26  }
0x7d: {  	[tilespmem:s18], [sflag:$0x2] =	stream.indirect.gather [hbm4b:s5+s16], $0x80, s28, s16, $0xb8;
	[tilespmem:$0x1E800] =	vst v63  }
0x7e: {  	p0 =	sne.s32 s26, $0x4800;
	_ =	swait.ge [sflag:s19], $0x4000  }
0x7f: {  	[sflag:s19] =	ssyncset.done $0x0  }
0x80: {  	s26 =	sadd.s32 $0x1400, s25;
	[sflag:s19] =	ssyncadd.s32 $0xFFFFC000  }
0x81: {  	[spmem:s2] =	stream.indirect.scatter.add.f32 [tilespmem:s17], [sflag:$0x3], $0x80, s26, s16, $0xb8;
	[tilespmem:$0x1E800] =	vst v63  }
0x82: {  	_ =	swait.ge [sflag:s14], $0x4000  }
0x83: {  	[sflag:s14] =	ssyncset.done $0x0  }
0x84: {  	s26 =	sadd.s32 $0x100, s25;
	[sflag:s14] =	ssyncadd.s32 $0xFFFFC000  }
0x85: {  	[tilespmem:s17], [sflag:$0x1] =	stream.indirect.gather [hbm4b:s5+s16], $0x80, s26, s16, $0xb8;
	[tilespmem:$0x1E800] =	vst v63  }
0x86: {  	_ =	swait.ge [sflag:s20], $0x4000  }
.Ltmp1:
0x87: {  	[sflag:s20] =	ssyncset.done $0x0;
	(pc) =	sbr.rel @p0 .LBB2_4-.Ltmp1, $4  }
0x88: {  	s25 =	sadd.s32 $0x1480, s25;
	[sflag:s20] =	ssyncadd.s32 $0xFFFFC000  }
0x89: {  	[spmem:s2] =	stream.indirect.scatter.add.f32 [tilespmem:s18], [sflag:$0x3], $0x80, s25, s16, $0xb8;
	[tilespmem:$0x1E800] =	vst v63  }
0x8a: {  	_ =	swait.ge [sflag:s14], $0x4000  }
0x8b: {  	s26 =	smov.u32 s30;
	s25 =	sshra.s32 s29, $0x2;
	[sflag:s14] =	ssyncset.done $0x0  }
0x8c: {  	s26 =	sadd.s32 $0x80, s25;
	[sflag:s14] =	ssyncadd.s32 $0xFFFFC000  }
0x8d: {  	[tilespmem:s18], [sflag:$0x2] =	stream.indirect.gather [hbm4b:s5+s16], $0x80, s26, s16, $0xb8;
	[tilespmem:$0x1E800] =	vst v63  }
0x8e: {  	_ =	swait.ge [sflag:s19], $0x4000  }
0x8f: {  	[sflag:s19] =	ssyncset.done $0x0  }
0x90: {  	s29 =	sadd.s32 $0x1400, s25;
	[sflag:s19] =	ssyncadd.s32 $0xFFFFC000  }
0x91: {  	[spmem:s2] =	stream.indirect.scatter.add.f32 [tilespmem:s17], [sflag:$0x3], $0x80, s29, s16, $0xb8;
	[tilespmem:$0x1E800] =	vst v63  }
0x92: {  	_ =	swait.ge [sflag:s14], $0x4000  }
0x93: {  	[sflag:s14] =	ssyncset.done $0x0  }
0x94: {  	s30 =	sadd.s32 $0x100, s25;
	[sflag:s14] =	ssyncadd.s32 $0xFFFFC000  }
0x95: {  	[tilespmem:s17], [sflag:$0x1] =	stream.indirect.gather [hbm4b:s5+s16], $0x80, s30, s16, $0xb8;
	[tilespmem:$0x1E800] =	vst v63  }
0x96: {  	_ =	swait.ge [sflag:s20], $0x4000  }
0x97: {  	[sflag:s20] =	ssyncset.done $0x0  }
0x98: {  	s31 =	sadd.s32 $0x1480, s25;
	[sflag:s20] =	ssyncadd.s32 $0xFFFFC000  }
0x99: {  	[spmem:s2] =	stream.indirect.scatter.add.f32 [tilespmem:s18], [sflag:$0x3], $0x80, s31, s16, $0xb8;
	[tilespmem:$0x1E800] =	vst v63  }
0x9a: {  	_ =	swait.ge [sflag:s14], $0x4000  }
0x9b: {  	[sflag:s14] =	ssyncset.done $0x0  }
0x9c: {  	[sflag:s14] =	ssyncadd.s32 $0xFFFFC000  }
0x9d: {  	[tilespmem:s18], [sflag:$0x2] =	stream.indirect.gather [hbm4b:s5+s16], $0x80, s21, s16, $0xb8;
	[tilespmem:$0x1E800] =	vst v63  }
0x9e: {  	_ =	swait.ge [sflag:s19], $0x4000  }
0x9f: {  	[sflag:s19] =	ssyncset.done $0x0  }
0xa0: {  	[sflag:s19] =	ssyncadd.s32 $0xFFFFC000  }
0xa1: {  	[spmem:s2] =	stream.indirect.scatter.add.f32 [tilespmem:s17], [sflag:$0x3], $0x80, s22, s16, $0xb8;
	[tilespmem:$0x1E800] =	vst v63  }
0xa2: {  	_ =	swait.ge [sflag:s14], $0x4000  }
0xa3: {  	[sflag:s14] =	ssyncset.done $0x0  }
0xa4: {  	[sflag:s14] =	ssyncadd.s32 $0xFFFFC000  }
0xa5: {  	_ =	swait.ge [sflag:s20], $0x4000  }
0xa6: {  	[sflag:s20] =	ssyncset.done $0x0  }
0xa7: {  	[sflag:s20] =	ssyncadd.s32 $0xFFFFC000  }
0xa8: {  	[spmem:s2] =	stream.indirect.scatter.add.f32 [tilespmem:s18], [sflag:$0x3], $0x80, s23, s16, $0xb8;
	[tilespmem:$0x1E800] =	vst v63  }
0xa9: {  	_ =	swait.ge [sflag:s14], $0x4000  }
0xaa: {  	s24 =	sadd.s32 $0x1, s24;
	[sflag:s14] =	ssyncset.done $0x0  }
0xab: {  	p0 =	sne.s32 s24, s12;
	[sflag:s14] =	ssyncadd.s32 $0xFFFFC000  }
.Ltmp2:
0xac: {  	[bflag:$0x0] =	sbarrier.arrive $0xFFFF;
	(pc) =	sbr.rel @p0 .LBB2_1-.Ltmp2, $4  }
0xad: {  	[hbm:s11], [sflag:s6] =	dma.local [spmem:s13], $0x2800  }
0xae: {  	_ =	swait.ge [sflag:s14], $0x2800  }
0xaf: {  	[sflag:s14] =	ssyncset.done $0x0  }
0xb0: {  	[sflag:s14] =	ssyncadd.s32 $0xFFFFD800  }
0xb1: {  	_ =	sfence.sel $0x180000  }
0xb2: {  	[bflag:$0x0] =	sbarrier.arrive $0xFFFF  }
0xb3: {  	p0 =	sne.s32 s3, $0x0;
	_ =	strace $0x9000004D  }
0xb4: {  	s0 =	sadd.s32 @!p0 $0x100000, s0;
	[bflag:$0x2] =	sbarrier.arrive $0xFFFF  }
0xb5: {  	[sflag:s0] =	ssyncadd.tile.s32 @!p0 $0x1;
	_ =	shalt  }
.Lfunc_end2:
_tile_overlayer_lowered:
.L_overlay_start_2:
0xb6: {  	(tag) =	ssettag $0x2  }
0xb7: {  	s0 =	rddreg [dreg:$0x0];
	s2 =	stileid.u32  }
0xb8: {  	s1 =	rddreg [dreg:$0x1];
	p0 =	sne.s32 s2, $0x0  }
0xb9: {  	s3 =	rddreg [dreg:$0x2];
	[bflag:$0x3] =	sbarrier.arrive $0xFFFF;
	s2 =	simm.s32 @!p0 $0x1C03  }
0xba: {  	[timem:s3], [sflag:s2] =	dma.local @!p0 [hbm:s0], s1  }
0xbb: {  	s0 =	simm.s32 @!p0 $0x3  }
0xbc: {  	_ =	swait.ge @!p0 [sflag:s0], s1  }
0xbd: {  	s1 =	ssub.s32 @!p0 $0x0, s1;
	[sflag:s0] =	ssyncset.done @!p0 $0x0  }
0xbe: {  	[sflag:s0] =	ssyncadd.s32 @!p0 s1  }
0xbf: {  	[bflag:$0x3] =	sbarrier.arrive $0xFFFF  }
0xc0: {  	_ =	shalt  }

// kernel: kernel.8.cloned.1.call-start
scs
__scs_entry_jumppad:
0x0: {  	(pc) =	sbr.rel $0x88, $3  }
0x1: {  	(tag) =	ssettag $0x0;
	lr =	simm.s32 $0x1  }
0x2: {  	[smem:$0x3F99] =	sst lr;
	_ =	strace $0xD0000000  }
0x3: {  	_ = 	snop  }
0x4: {  	_ = 	snop  }
0x5: {  	_ = 	snop  }
0x6: {  	_ = 	snop  }
0x7: {  	_ = 	snop  }
__scs_overlays_trampoline_lowered:
0x8: {  	[smem:$0x3FA8] =	sst s0  }
0x9: {  	[smem:$0x3FA9] =	sst s1  }
0xa: {  	[smem:$0x3FAA] =	sst s2  }
0xb: {  	[smem:$0x3FAB] =	sst s3  }
0xc: {  	[smem:$0x3FAC] =	sst s4  }
0xd: {  	[smem:$0x3FAD] =	sst s5  }
0xe: {  	[smem:$0x3FAE] =	sst s6  }
0xf: {  	[smem:$0x3FAF] =	sst s7  }
0x10: {  	[smem:$0x3FB0] =	sst s8  }
0x11: {  	[smem:$0x3FB1] =	sst s9;
	s0 =	simm.s32 @!p0 $0x0  }
0x12: {  	s1 =	sld [smem:$0x3F97];
	s0 =	simm.s32 @p0 $0x1  }
0x13: {  	[smem:$0x3FB2] =	sst s0;
	s0 =	simm.s32 @!p1 $0x0  }
0x14: {  	s2 =	sld [smem:$0x3F96];
	s0 =	simm.s32 @p1 $0x1  }
0x15: {  	[smem:$0x3FB3] =	sst s0;
	s0 =	simm.s32 @!p2 $0x0  }
0x16: {  	s3 =	sld [smem:$0x3FDB];
	s0 =	simm.s32 @p2 $0x1  }
0x17: {  	s4 =	simm.s32 $0x1BF5;
	[smem:$0x3FB5] =	sst s0  }
0x18: {  	s0 =	sld [smem:$0x3F98];
	_ =	swait.ge [sflag:s4], $0x0  }
0x19: {  	s7 =	sld [smem:$0x3F99]  }
0x1a: {  	s8 =	sadd.s32 $0xFFFFE003, lr  }
0x1b: {  	s9 =	sadd.s32 $0xFFFFFEF7, lr;
	s5 =	simm.s32 $0xFFFFFFFF;
	p2 =	slt.u32 s8, $0xFFFFF086  }
0x1c: {  	p1 =	slt.u32 s9, $0xF7A;
	s5 =	simm.s32 @!p2 $0x0  }
0x1d: {  	s5 =	simm.s32 @p1 $0x1;
	p0 =	seq.s32 s7, s2  }
0x1e: {  	s7 =	smul.u32 @!p0 $0xF7A, s2;
	p2 =	seq.s32 @!p0 s5, $0x0  }
0x1f: {  	s9 =	smul.u32 $0xF7A, s1;
	s8 =	simm.s32 @!p0 $0x1BF5;
	p2 =	por !p2, p0  }
0x20: {  	[sflag:s8] =	ssyncset.s32 @!p0 $0xFFFFF086;
	s6 =	sadd.s32 @!p0 s3, s7;
	s7 =	simm.s32 @!p0 $0x108  }
0x21: {  	s3 =	sadd.s32 s3, s9;
	s6 =	sadd.s32 @!p0 $0x88, s6;
	s7 =	simm.s32 @p2 $0x1082  }
0x22: {  	[simem:s7], [sflag:s8] =	dma.local @!p0 [hbm:s6], $0xF7A  }
0x23: {  	s9 =	sor.u32 $0xD0000000, s2;
	s6 =	simm.s32 $0x108;
	_ =	swait.ge @!p0 [sflag:s8], $0x0  }
0x24: {  	s3 =	sadd.s32 $0x88, s3;
	s6 =	simm.s32 @!p1 $0x1082;
	[sflag:s4] =	ssyncset.s32 $0xFFFFF086  }
0x25: {  	[simem:s6], [sflag:s4] =	dma.local [hbm:s3], $0xF7A  }
0x26: {  	[smem:$0x3F99] =	sst s1;
	(tag) =	ssettag s2;
	_ =	strace s9  }
0x27: {  	s1 =	sld [smem:$0x3FA9]  }
0x28: {  	s2 =	sld [smem:$0x3FAA]  }
0x29: {  	s4 =	sld [smem:$0x3FAC]  }
0x2a: {  	p0 =	seq.s32 s5, $0x0;
	s5 =	sld [smem:$0x3FAD]  }
0x2b: {  	s6 =	sld [smem:$0x3FAE]  }
0x2c: {  	s7 =	sld [smem:$0x3FAF]  }
0x2d: {  	s3 =	simm.s32 $0x108;
	s8 =	sld [smem:$0x3FB0]  }
0x2e: {  	s3 =	simm.s32 @!p0 $0x1082;
	s9 =	sld [smem:$0x3FB1]  }
0x2f: {  	lr =	sadd.s32 s0, s3;
	s0 =	sld [smem:$0x3FA8]  }
0x30: {  	s3 =	sld [smem:$0x3FAB]  }
0x31: {  	[smem:$0x3FB4] =	sst s10  }
0x32: {  	s10 =	sld [smem:$0x3FB2];
	_ =	sdelay $0x3  }
0x33: {  	p0 =	seq.s32 s10, $0x1;
	s10 =	sld [smem:$0x3FB4];
	_ =	sdelay $0x3  }
0x34: {  	[smem:$0x3FB4] =	sst s10  }
0x35: {  	s10 =	sld [smem:$0x3FB3];
	_ =	sdelay $0x3  }
0x36: {  	p1 =	seq.s32 s10, $0x1;
	s10 =	sld [smem:$0x3FB4];
	_ =	sdelay $0x3  }
0x37: {  	[smem:$0x3FB4] =	sst s10  }
0x38: {  	s10 =	sld [smem:$0x3FB5]  }
0x39: {  	_ = 	snop;
	(pc) =	sbr.ind lr, $3  }
0x3a: {  	_ = 	snop  }
0x3b: {  	_ = 	snop  }
0x3c: {  	p2 =	seq.s32 s10, $0x1;
	s10 =	sld [smem:$0x3FB4]  }
0x3d: {  	_ =	shalt  }
0x3e: {  	_ =	shalt  }
0x3f: {  	_ =	shalt  }
0x40: {  	_ =	shalt  }
0x41: {  	_ =	shalt  }
0x42: {  	_ =	shalt  }
0x43: {  	_ =	shalt  }
0x44: {  	_ =	shalt  }
0x45: {  	_ =	shalt  }
0x46: {  	_ =	shalt  }
0x47: {  	_ =	shalt  }
0x48: {  	_ =	shalt  }
0x49: {  	_ =	shalt  }
0x4a: {  	_ =	shalt  }
0x4b: {  	_ =	shalt  }
0x4c: {  	_ =	shalt  }
0x4d: {  	_ =	shalt  }
0x4e: {  	_ =	shalt  }
0x4f: {  	_ =	shalt  }
0x50: {  	_ =	shalt  }
0x51: {  	_ =	shalt  }
0x52: {  	_ =	shalt  }
0x53: {  	_ =	shalt  }
0x54: {  	_ =	shalt  }
0x55: {  	_ =	shalt  }
0x56: {  	_ =	shalt  }
0x57: {  	_ =	shalt  }
0x58: {  	_ =	shalt  }
0x59: {  	_ =	shalt  }
0x5a: {  	_ =	shalt  }
0x5b: {  	_ =	shalt  }
0x5c: {  	_ =	shalt  }
0x5d: {  	_ =	shalt  }
0x5e: {  	_ =	shalt  }
0x5f: {  	_ =	shalt  }
0x60: {  	_ =	shalt  }
0x61: {  	_ =	shalt  }
0x62: {  	_ =	shalt  }
0x63: {  	_ =	shalt  }
0x64: {  	_ =	shalt  }
0x65: {  	_ =	shalt  }
0x66: {  	_ =	shalt  }
0x67: {  	_ =	shalt  }
0x68: {  	_ =	shalt  }
0x69: {  	_ =	shalt  }
0x6a: {  	_ =	shalt  }
0x6b: {  	_ =	shalt  }
0x6c: {  	_ =	shalt  }
0x6d: {  	_ =	shalt  }
0x6e: {  	_ =	shalt  }
0x6f: {  	_ =	shalt  }
0x70: {  	_ =	shalt  }
0x71: {  	_ =	shalt  }
0x72: {  	_ =	shalt  }
0x73: {  	_ =	shalt  }
0x74: {  	_ =	shalt  }
0x75: {  	_ =	shalt  }
0x76: {  	_ =	shalt  }
0x77: {  	_ =	shalt  }
0x78: {  	_ =	shalt  }
0x79: {  	_ =	shalt  }
0x7a: {  	_ =	shalt  }
0x7b: {  	_ =	shalt  }
0x7c: {  	_ =	shalt  }
0x7d: {  	_ =	shalt  }
0x7e: {  	_ =	shalt  }
0x7f: {  	_ =	shalt  }
0x80: {  	_ =	shalt  }
0x81: {  	_ =	shalt  }
0x82: {  	_ =	shalt  }
0x83: {  	_ =	shalt  }
0x84: {  	_ =	shalt  }
0x85: {  	_ =	shalt  }
0x86: {  	_ =	shalt  }
0x87: {  	_ =	shalt  }
.Lfunc_end0:
.L_simem_size_0:
called_computation_lowered:
.L_overlay_start_0:
0x88: {  	s2 =	sld [smem:$0x3FD9]  }
0x89: {  	s3 =	sld [smem:$0x3FFE];
	_ =	sdelay $0x1  }
0x8a: {  	s1 =	srdreg.scid  }
0x8b: {  	s0 =	sand.u32 $0x1, s1  }
0x8c: {  	s16 =	sshll.u32 s0, $0xA;
	s2 =	sadd.s32 s3, s2  }
0x8d: {  	s2 =	sadd.s32 s2, s16  }
0x8e: {  	[smem:$0x3FC0] =	sst s2  }
0x8f: {  	_ = 	snop  }
0x90: {  	(tm) =	ssettm $0x1  }
0x91: {  	s17 =	sld [smem:$0x3FFB];
	_ =	sdelay $0x3  }
0x92: {  	_ =	strace s17  }
0x93: {  	s2 =	sld [smem:$0x3FFC];
	_ =	sdelay $0x3  }
0x94: {  	_ =	strace s2  }
0x95: {  	s2 =	sld [smem:$0x3FFD];
	_ =	sdelay $0x3  }
0x96: {  	_ =	strace s2  }
0x97: {  	_ =	strace $0x8FFFFFFF  }
0x98: {  	s18 =	sld [smem:$0x3FDB];
	_ =	sdelay $0x1  }
0x99: {  	s19 =	simm.s32 $_scs_section_size  }
0x9a: {  	s4 =	simm.s32 $_size__tile_overlayer_lowered;
	s5 =	simm.s32 $_tile_overlayer_lowered  }
0x9b: {  	s22 =	simm.s32 $0x1BFF;
	s21 =	sshll.u32 s5, $0x1;
	s2 =	sadd.s32 s19, s18  }
0x9c: {  	s6 =	simm.s32 $0x0;
	s20 =	sshll.u32 s4, $0x1;
	s4 =	sadd.s32 s21, s2  }
0x9d: {  	[timem:s6], [sflag:s22] =	dma.local [hbm:s4], s20  }
0x9e: {  	_ =	swait.ge [sflag:s22], s20  }
0x9f: {  	s3 =	ssub.s32 $0x0, s20;
	[sflag:s22] =	ssyncset.done $0x0  }
0xa0: {  	[sflag:s22] =	ssyncadd.s32 s3;
	_ =	sdelay $0x1  }
0xa1: {  	s23 =	simm.s32 $0x1B8B  }
0xa2: {  	_ =	swait.ge [sflag:s23], $0x1  }
0xa3: {  	[sflag:s23] =	ssyncset.done $0x0  }
0xa4: {  	s25 =	simm.s32 $0x1B8E;
	s24 =	sld [smem:$0x3FFE];
	[sflag:s23] =	ssyncadd.s32 $0xFFFFFFFF  }
0xa5: {  	s26 =	simm.s32 $execute0_lowered;
	[smem:$0x3FD2] =	sst s25  }
0xa6: {  	s4 =	sshll.u32 s26, $0x1;
	_ =	strace $0x80000046;
	[dreg:$0x1] =	wrdreg $0xFFFFFFFF  }
0xa7: {  	s28 =	simm.s32 $_size_execute0_lowered;
	s2 =	sadd.s32 s2, s4;
	[dreg:$0x0] =	wrdreg $0x0  }
0xa8: {  	s4 =	sshll.u32 s28, $0x1;
	[dreg:$0x2] =	wrdreg s2  }
0xa9: {  	[dreg:$0x3] =	wrdreg s4  }
0xaa: {  	[dreg:$0x4] =	wrdreg $0xC0  }
0xab: {  	_ =	task [dreg:s6], $0x5FFFF  }
0xac: {  	[dreg:$0x1] =	wrdreg $0xFFFFFFFF  }
0xad: {  	[dreg:$0x0] =	wrdreg $0x60  }
0xae: {  	[dreg:$0x2] =	wrdreg s24  }
0xaf: {  	[dreg:$0x3] =	wrdreg $0x9  }
0xb0: {  	_ =	task.clear_ibuf [dreg:s6], $0x4FFFF;
	_ =	strace $0x90000046  }
0xb1: {  	s29 =	simm.s32 $0x9;
	_ =	strace $0x80000048  }
0xb2: {  	_ =	swait.ge [sflag:s29], $0x1  }
0xb3: {  	[sflag:s29] =	ssyncadd.s32 $0xFFFFFFFF  }
0xb4: {  	_ =	strace $0x90000048  }
0xb5: {  	_ =	sfence  }
0xb6: {  	s30 =	sld [smem:$0x0];
	_ =	sdelay $0x2  }
0xb7: {  	s31 =	sshll.u32 s1, $0xD;
	s1 =	sshrl.u32 s1, $0x2  }
0xb8: {  	s3 =	sand.u32 $0x4000, s31;
	s1 =	sadd.s32 s1, s30  }
0xb9: {  	s0 =	sor.u32 s3, s0;
	s1 =	sshll.u32 s1, $0x11  }
0xba: {  	s0 =	sor.u32 s1, s0  }
0xbb: {  	s0 =	sadd.s32 $0x8F2B, s0  }
0xbc: {  	[sflag:s0] =	ssyncadd.remote.s32 $0x1  }
0xbd: {  	_ =	sfence.sel $0xFFFF  }
0xbe: {  	[dreg:$0x0] =	wrdreg $0xFFFFFFFF;
	(pc) =	sbr.abs _section_cstart, $3  }
0xbf: {  	[dreg:$0x1] =	wrdreg $0xFFFFFFFF  }
0xc0: {  	_ =	task.clear_ibuf [dreg:s6], $0x2FFFF;
	_ =	strace $0x9FFFFFFF  }
0xc1: {  	(tm) =	ssettm $0x7FFFFFFF  }
tec
execute0_lowered:
.L_overlay_start_1:
0x0: {  	(tag) =	ssettag $0x1  }
0x1: {  	s0 =	srdreg.scid;
	s5 =	rddreg [dreg:$0x0];
	s2 =	simm.s32 $0x0  }
0x2: {  	s8 =	simm.s32 $0x1;
	s9 =	simm.s32 $0x2800;
	s3 =	sand.u32 $0x1, s0  }
0x3: {  	s10 =	simm.s32 $0x5000;
	s0 =	stileid.u32;
	s1 =	sshll.u32 s3, $0x4  }
0x4: {  	s11 =	simm.s32 $0x7800;
	s12 =	simm.s32 $0x80;
	s4 =	sor.u32 s0, s1  }
0x5: {  	s13 =	simm.s32 $0x400;
	[smem:$0x7FF] =	sst s2;
	s1 =	sshrl.u32 s4, $0x3  }
0x6: {  	s7 =	sshll.u32 s0, $0x7;
	s3 =	ssub.s32 $0x2, s3;
	s6 =	smul.u32 $0x14000, s1  }
0x7: {  	s7 =	sand.u32 $0x380, s7;
	s30 =	sshrl.u32 s3, $0x1;
	s4 =	smul.u32 $0x500, s4  }
0x8: {  	s31 =	ssub.s32 s3, s30;
	s1 =	rddreg [dreg:$0x1];
	s6 =	sor.u32 s7, s6  }
0x9: {  	_ =	strace $0x80000047;
	s4 =	sadd.s32 s4, s5;
	s6 =	sshrl.u32 s6, $0x3  }
0xa: {  	s3 =	sadd.s32 $0xCA00, s4;
	s4 =	sadd.s32 $0x2A00, s4;
	s6 =	sadd.s32 s6, s5  }
0xb: {  	v0 =	vimm.f32 $0.0e+00;
	v1 =	vimm.f32 $1.000000000e+00;
	s7 =	smax.u32 s31, $0x1;
	s5 =	sadd.s32 $0x16A00, s6;
	s6 =	sadd.s32 $0x20A00, s6  }
.LBB2_1:
0xc: {  	s14 =	simm.s32 $0x40;
	s15 =	simm.s32 $0x0  }
.LBB2_2:
0xd: {  	p0 =	sne.s32 s14, $0x9FC0;
	[tilespmem:s15+$0x5000] =	vst v0;
	s16 =	smov.u32 s14;
	s14 =	sadd.s32 $0x40, s14  }
.Ltmp0:
0xe: {  	[tilespmem:s15+$0x7800] =	vst v0;
	(pc) =	sbr.rel @p0 .LBB2_2-.Ltmp0, $2  }
0xf: {  	_ =	sdelay $0x2  }
0x10: {  	s15 =	sshra.s32 s16, $0x2  }
0x11: {  	[tilespmem:s15+$0x5000] =	vst v0  }
0x12: {  	[tilespmem:s15+$0x7800] =	vst v0;
	s14 =	simm.s32 $0x0  }
0x13: {  	[tilespmem:s14], [sflag:$0x1] =	stream.linear.gather [hbm4b:s3+s14], $0x2800, $0x38;
	[tilespmem:$0xA000] =	vst v63  }
0x14: {  	_ =	swait.ge [sflag:s8], $0x2800  }
0x15: {  	[sflag:s8] =	ssyncset.done $0x0  }
0x16: {  	[sflag:s8] =	ssyncadd.s32 $0xFFFFD800  }
0x17: {  	[tilespmem:s9], [sflag:$0x1] =	stream.linear.gather [hbm4b:s4+s14], $0x2800, $0x38;
	[tilespmem:$0xA000] =	vst v63  }
0x18: {  	_ =	swait.ge [sflag:s8], $0x2800  }
0x19: {  	[sflag:s8] =	ssyncset.done $0x0  }
0x1a: {  	[sflag:s8] =	ssyncadd.s32 $0xFFFFD800  }
.LBB2_4:
0x1b: {  	s15 =	sshra.s32 s14, $0x2  }
0x1c: {  	v2 =	vld [tilespmem:s15+$0x0];
	_ =	sdelay $0x7  }
0x1d: {  	[tilespmem:v2+s10+$0x0] =	vst.idx.add.f32.msk $0xffff, v1  }
0x1e: {  	v2 =	vld [tilespmem:s15+$0x2800];
	_ =	sdelay $0x7  }
0x1f: {  	[tilespmem:v2+s11+$0x0] =	vst.idx.add.f32.msk $0xffff, v1  }
0x20: {  	v2 =	vld [tilespmem:s15+$0x10];
	_ =	sdelay $0x7  }
0x21: {  	[tilespmem:v2+s10+$0x0] =	vst.idx.add.f32.msk $0xffff, v1  }
0x22: {  	v2 =	vld [tilespmem:s15+$0x2810];
	_ =	sdelay $0x7  }
0x23: {  	[tilespmem:v2+s11+$0x0] =	vst.idx.add.f32.msk $0xffff, v1  }
0x24: {  	v2 =	vld [tilespmem:s15+$0x20];
	_ =	sdelay $0x7  }
0x25: {  	[tilespmem:v2+s10+$0x0] =	vst.idx.add.f32.msk $0xffff, v1  }
0x26: {  	v2 =	vld [tilespmem:s15+$0x2820];
	_ =	sdelay $0x7  }
0x27: {  	[tilespmem:v2+s11+$0x0] =	vst.idx.add.f32.msk $0xffff, v1  }
0x28: {  	v2 =	vld [tilespmem:s15+$0x30];
	_ =	sdelay $0x7  }
0x29: {  	[tilespmem:v2+s10+$0x0] =	vst.idx.add.f32.msk $0xffff, v1  }
0x2a: {  	v2 =	vld [tilespmem:s15+$0x2830];
	_ =	sdelay $0x7  }
0x2b: {  	[tilespmem:v2+s11+$0x0] =	vst.idx.add.f32.msk $0xffff, v1  }
0x2c: {  	v2 =	vld [tilespmem:s15+$0x40];
	_ =	sdelay $0x7  }
0x2d: {  	[tilespmem:v2+s10+$0x0] =	vst.idx.add.f32.msk $0xffff, v1  }
0x2e: {  	v2 =	vld [tilespmem:s15+$0x2840];
	_ =	sdelay $0x7  }
0x2f: {  	[tilespmem:v2+s11+$0x0] =	vst.idx.add.f32.msk $0xffff, v1  }
0x30: {  	v2 =	vld [tilespmem:s15+$0x50];
	_ =	sdelay $0x7  }
0x31: {  	[tilespmem:v2+s10+$0x0] =	vst.idx.add.f32.msk $0xffff, v1  }
0x32: {  	v2 =	vld [tilespmem:s15+$0x2850];
	_ =	sdelay $0x7  }
0x33: {  	[tilespmem:v2+s11+$0x0] =	vst.idx.add.f32.msk $0xffff, v1  }
0x34: {  	v2 =	vld [tilespmem:s15+$0x60];
	_ =	sdelay $0x7  }
0x35: {  	[tilespmem:v2+s10+$0x0] =	vst.idx.add.f32.msk $0xffff, v1  }
0x36: {  	v2 =	vld [tilespmem:s15+$0x2860];
	_ =	sdelay $0x7  }
0x37: {  	[tilespmem:v2+s11+$0x0] =	vst.idx.add.f32.msk $0xffff, v1  }
0x38: {  	v2 =	vld [tilespmem:s15+$0x70];
	_ =	sdelay $0x7  }
0x39: {  	[tilespmem:v2+s10+$0x0] =	vst.idx.add.f32.msk $0xffff, v1  }
0x3a: {  	v2 =	vld [tilespmem:s15+$0x2870];
	_ =	sdelay $0x2  }
0x3b: {  	p0 =	sne.s32 s14, $0x9E00  }
.Ltmp1:
0x3c: {  	_ = 	snop;
	(pc) =	sbr.rel @p0 .LBB2_4-.Ltmp1, $2  }
0x3d: {  	_ =	sdelay $0x2  }
0x3e: {  	s14 =	sadd.s32 $0x200, s14;
	[tilespmem:v2+s11+$0x0] =	vst.idx.add.f32.msk $0xffff, v1  }
0x3f: {  	[hbm4b:s5+s12] =	stream.strided.scatter [tilespmem:s10], [sflag:$0x1], $0x2800, s13, s12, $0x38;
	[tilespmem:$0xA000] =	vst v63  }
0x40: {  	s2 =	sadd.s32 $0x1, s2;
	_ =	swait.ge [sflag:s8], $0x2800  }
0x41: {  	p0 =	sne.s32 s2, s7;
	[sflag:s8] =	ssyncset.done $0x0  }
.Ltmp2:
0x42: {  	[sflag:s8] =	ssyncadd.s32 $0xFFFFD800;
	(pc) =	sbr.rel @p0 .LBB2_1-.Ltmp2, $4  }
0x43: {  	[hbm4b:s6+s12] =	stream.strided.scatter [tilespmem:s11], [sflag:$0x1], $0x2800, s13, s12, $0x38;
	[tilespmem:$0xA000] =	vst v63  }
0x44: {  	_ =	swait.ge [sflag:s8], $0x2800  }
0x45: {  	[sflag:s8] =	ssyncset.done $0x0  }
0x46: {  	[sflag:s8] =	ssyncadd.s32 $0xFFFFD800  }
0x47: {  	_ =	sfence.sel $0x180000  }
0x48: {  	[bflag:$0x0] =	sbarrier.arrive $0xFFFF  }
0x49: {  	p0 =	sne.s32 s0, $0x0;
	_ =	strace $0x90000047  }
0x4a: {  	s0 =	sadd.s32 @!p0 $0x100000, s1;
	[bflag:$0x2] =	sbarrier.arrive $0xFFFF  }
0x4b: {  	[sflag:s0] =	ssyncadd.tile.s32 @!p0 $0x1;
	_ =	shalt  }
.Lfunc_end2:
_tile_overlayer_lowered:
.L_overlay_start_2:
0x4c: {  	(tag) =	ssettag $0x2  }
0x4d: {  	s0 =	rddreg [dreg:$0x0];
	s2 =	stileid.u32  }
0x4e: {  	s1 =	rddreg [dreg:$0x1];
	p0 =	sne.s32 s2, $0x0  }
0x4f: {  	s3 =	rddreg [dreg:$0x2];
	[bflag:$0x3] =	sbarrier.arrive $0xFFFF;
	s2 =	simm.s32 @!p0 $0x1C01  }
0x50: {  	[timem:s3], [sflag:s2] =	dma.local @!p0 [hbm:s0], s1  }
0x51: {  	s0 =	simm.s32 @!p0 $0x1  }
0x52: {  	_ =	swait.ge @!p0 [sflag:s0], s1  }
0x53: {  	s1 =	ssub.s32 @!p0 $0x0, s1;
	[sflag:s0] =	ssyncset.done @!p0 $0x0  }
0x54: {  	[sflag:s0] =	ssyncadd.s32 @!p0 s1  }
0x55: {  	[bflag:$0x3] =	sbarrier.arrive $0xFFFF  }
0x56: {  	_ =	shalt  }

</sc_bundles>
